<compile_context>
chip_gen: v7x
topology: tpu7x:2x2x1
jax: 0.10.2.dev20260603
libtpu: 0.0.44.dev20260713+nightly
codegen_flags: <defaults>
</compile_context>

<pallas_src>
import functools

import jax
import jax.numpy as jnp
from jax import lax
from jax.experimental import pallas as pl
from jax.experimental.pallas import tpu as pltpu
from jax.experimental.pallas import tpu_sc as plsc

_NW = 32
_CH = 128
_SCH = 64
_NB = 4
_NSPLIT = 1


def _sc_gather(emb, nbr2f, sel, split, nsplit):
    V, D = emb.shape
    N2 = nbr2f.shape[0]
    NP = N2 // nsplit
    n2_w = NP // _NW
    n2_ch = n2_w // _CH
    gbase = split * NP

    out_type = [jax.ShapeDtypeStruct((NP, D), emb.dtype)]
    scratch = [
        pltpu.VMEM((_NB, _CH), jnp.int32),
        pltpu.VMEM((_NB, _CH, D), emb.dtype),
        pltpu.SemaphoreType.DMA((_NB,)),
        pltpu.SemaphoreType.DMA((_NB,)),
    ]
    if sel is not None:
        NS = sel.shape[0]
        sel_w = NS // _NW
        sel_ch = sel_w // _SCH
        out_type.append(jax.ShapeDtypeStruct((NS, D), emb.dtype))
        scratch += [
            pltpu.VMEM((_SCH,), jnp.int32),
            pltpu.VMEM((_SCH, D), emb.dtype),
            pltpu.SemaphoreType.DMA,
        ]

    mesh = plsc.VectorSubcoreMesh(core_axis_name="c", subcore_axis_name="s")

    @functools.partial(pl.kernel, mesh=mesh, out_type=out_type,
                       scratch_types=scratch)
    def k(*refs):
        if sel is not None:
            (emb_hbm, n2_hbm, sel_hbm, h2_hbm, hs_hbm,
             idx_v, rows_v, gs, ws, sidx_v, srows_v, sem) = refs
        else:
            emb_hbm, n2_hbm, h2_hbm, idx_v, rows_v, gs, ws = refs

        wid = lax.axis_index("s") * 2 + lax.axis_index("c")
        base2 = wid * n2_w

        @pl.loop(0, n2_ch, step=_NB)
        def _(c):
            for b in range(_NB):
                cc = c + b

                @pl.when(cc >= _NB)
                def _():
                    pltpu.make_async_copy(
                        rows_v.at[b], h2_hbm.at[pl.ds(0, _CH)], ws.at[b]
                    ).wait()

                pltpu.sync_copy(
                    n2_hbm.at[pl.ds(gbase + base2 + cc * _CH, _CH)],
                    idx_v.at[b])
                pltpu.async_copy(emb_hbm.at[idx_v.at[b]], rows_v.at[b],
                                 gs.at[b])
                pb = (b - 1) % _NB

                @pl.when(cc >= 1)
                def _():
                    pltpu.make_async_copy(
                        emb_hbm.at[idx_v.at[pb]], rows_v.at[pb], gs.at[pb]
                    ).wait()
                    pltpu.async_copy(rows_v.at[pb],
                                     h2_hbm.at[pl.ds(base2 + cc * _CH - _CH,
                                                     _CH)],
                                     ws.at[pb])

        lb = (n2_ch - 1) % _NB
        pltpu.make_async_copy(emb_hbm.at[idx_v.at[lb]], rows_v.at[lb],
                              gs.at[lb]).wait()
        pltpu.async_copy(rows_v.at[lb],
                         h2_hbm.at[pl.ds(base2 + (n2_ch - 1) * _CH, _CH)],
                         ws.at[lb])
        for b in range(_NB):
            pltpu.make_async_copy(rows_v.at[b], h2_hbm.at[pl.ds(0, _CH)],
                                  ws.at[b]).wait()

        if sel is not None:
            bases = wid * sel_w

            @pl.loop(0, sel_ch)
            def _(c):
                off = bases + c * _SCH
                pltpu.sync_copy(sel_hbm.at[pl.ds(off, _SCH)], sidx_v)
                pltpu.async_copy(emb_hbm.at[sidx_v], srows_v, sem).wait()
                pltpu.sync_copy(srows_v, hs_hbm.at[pl.ds(off, _SCH)])

    if sel is not None:
        return k(emb, nbr2f, sel)
    res = k(emb, nbr2f)
    return res[0] if isinstance(res, (list, tuple)) else res


def _tc_dense(h2part, hsel, G1T, W1s, W1n, W2s, W2n, split, nsplit,
              B, F1, F2, D, H):
    BLK = 1024
    OB = BLK // F1
    nblk = (B * F1) // BLK // nsplit
    h1_blk0 = split * nblk
    h0_blk0 = (B * F1) // OB + split * ((B // nsplit) // OB)

    def body(h2v_ref, hs_ref, h0_ref, g_ref, w1s_ref, w1n_ref, w2s_ref,
             w2n_ref, o_ref):
        h2m = jnp.sum(h2v_ref[...].reshape(BLK, F2, D), axis=1) * (1.0 / F2)
        h1 = jnp.maximum(
            jnp.dot(hs_ref[...], w1s_ref[...],
                    preferred_element_type=jnp.float32)
            + jnp.dot(h2m, w1n_ref[...], preferred_element_type=jnp.float32),
            0.0)
        h1m = jnp.dot(g_ref[...], h1, preferred_element_type=jnp.float32)
        o_ref[...] = jnp.maximum(
            jnp.dot(h0_ref[...], w2s_ref[...],
                    preferred_element_type=jnp.float32)
            + jnp.dot(h1m, w2n_ref[...], preferred_element_type=jnp.float32),
            0.0)

    return pl.pallas_call(
        body,
        grid=(nblk,),
        in_specs=[
            pl.BlockSpec((BLK * F2, D), lambda i: (i, 0)),
            pl.BlockSpec((BLK, D), lambda i: (i + h1_blk0, 0)),
            pl.BlockSpec((OB, D), lambda i: (i + h0_blk0, 0)),
            pl.BlockSpec((OB, BLK), lambda i: (0, 0)),
            pl.BlockSpec((D, H), lambda i: (0, 0)),
            pl.BlockSpec((D, H), lambda i: (0, 0)),
            pl.BlockSpec((D, H), lambda i: (0, 0)),
            pl.BlockSpec((H, H), lambda i: (0, 0)),
        ],
        out_specs=pl.BlockSpec((OB, H), lambda i: (i, 0)),
        out_shape=jax.ShapeDtypeStruct((B // nsplit, H), jnp.float32),
    )(h2part, hsel, hsel, G1T, W1s, W1n, W2s, W2n)


def kernel(seeds, nbr1, nbr2, emb, W1s, W1n, W2s, W2n):
    B, F1 = nbr1.shape
    F2 = nbr2.shape[1]
    D = emb.shape[1]
    H = W1s.shape[1]

    nbr2f = nbr2.reshape(-1)
    sel = jnp.concatenate([nbr1.reshape(-1), seeds])

    parts = []
    hsel = None
    for s in range(_NSPLIT):
        if s == 0:
            h2p, hsel = _sc_gather(emb, nbr2f, sel, s, _NSPLIT)
        else:
            h2p = _sc_gather(emb, nbr2f, None, s, _NSPLIT)
        parts.append(h2p)

    BLK = 1024
    OB = BLK // F1
    G1T = (jnp.arange(OB, dtype=jnp.int32)[:, None]
           == (jnp.arange(BLK, dtype=jnp.int32)[None, :] // F1)
           ).astype(jnp.float32) * (1.0 / F1)

    outs = [_tc_dense(parts[s], hsel, G1T, W1s, W1n, W2s, W2n, s, _NSPLIT,
                      B, F1, F2, D, H)
            for s in range(_NSPLIT)]
    return jnp.concatenate(outs, axis=0)

# --- scband reference (transcript-rebuilt; emitter-appended) ---
"""Pipeline reference for scband-sampled-graph-sage-15590731284985 (READ-ONLY COPY).

The authoritative reference and input builder live on the scoring server;
editing this copy changes nothing except your own understanding.
"""

import jax, jax.numpy as jnp
import numpy as np

NUM_NODES = 100000
EMB_DIM = 128
HIDDEN = 128
B = 2048
FAN1 = 16
FAN2 = 16


def _xavier(key, fan_in, fan_out):
    limit = float(np.sqrt(6.0 / (fan_in + fan_out)))
    return jax.random.uniform(key, (fan_in, fan_out), minval=-limit, maxval=limit, dtype=jnp.float32)


def setup_inputs(seed: int = 0) -> dict:
    key = jax.random.key(seed)
    ks = jax.random.split(key, 8)
    seeds = jax.random.randint(ks[0], (B,), 0, NUM_NODES, dtype=jnp.int32)
    nbr1 = jax.random.randint(ks[1], (B, FAN1), 0, NUM_NODES, dtype=jnp.int32)
    nbr2 = jax.random.randint(ks[2], (B * FAN1, FAN2), 0, NUM_NODES, dtype=jnp.int32)
    emb = jax.random.normal(ks[3], (NUM_NODES, EMB_DIM), dtype=jnp.float32) * 0.02
    W1s = _xavier(ks[4], EMB_DIM, HIDDEN)
    W1n = _xavier(ks[5], EMB_DIM, HIDDEN)
    W2s = _xavier(ks[6], EMB_DIM, HIDDEN)
    W2n = _xavier(ks[7], HIDDEN, HIDDEN)
    return {"seeds": seeds, "nbr1": nbr1, "nbr2": nbr2, "emb": emb,
            "W1s": W1s, "W1n": W1n, "W2s": W2s, "W2n": W2n}


def reference(seeds, nbr1, nbr2, emb, W1s, W1n, W2s, W2n):
    # hop-2 embedding gather + mean aggregate
    h2 = jnp.take(emb, nbr2, axis=0)            # [B*FAN1, FAN2, EMB_DIM]
    h2_mean = h2.mean(axis=1)                   # [B*FAN1, EMB_DIM]
    # hop-1 self embeddings
    h1_self = jnp.take(emb, nbr1.reshape(-1), axis=0)  # [B*FAN1, EMB_DIM]
    h1 = jax.nn.relu(h1_self @ W1s + h2_mean @ W1n)    # [B*FAN1, HIDDEN]
    # dropout p=0.0 -> identity
    h1 = h1.reshape(B, FAN1, HIDDEN).mean(axis=1)      # [B, HIDDEN]
    h0 = jnp.take(emb, seeds, axis=0)                  # [B, EMB_DIM]
    out = jax.nn.relu(h0 @ W2s + h1 @ W2n)             # [B, HIDDEN]
    return out

if __name__ == "__main__":
    import jax
    _d = setup_inputs()
    print(jax.jit(kernel)(*tuple(_d.values())))

</pallas_src>

<mosaic_0001>
#map = affine_map<(d0, d1) -> (0, 0)>
#map1 = affine_map<(d0, d1) -> (0)>
module attributes {stable_mosaic.version = 14 : i64} {
  func.func @k(%arg0: i32, %arg1: i32, %arg2: memref<100000x128xf32, #tpu.memory_space<hbm>>, %arg3: memref<524288xi32, #tpu.memory_space<hbm>>, %arg4: memref<34816xi32, #tpu.memory_space<hbm>>, %arg5: memref<524288x128xf32, #tpu.memory_space<hbm>>, %arg6: memref<34816x128xf32, #tpu.memory_space<hbm>>, %arg7: memref<4x128xi32, #tpu.memory_space<vmem>>, %arg8: memref<4x128x128xf32, #tpu.memory_space<vmem>>, %arg9: memref<4x!tpu.dma_semaphore, #tpu.memory_space<semaphore_mem>>, %arg10: memref<4x!tpu.dma_semaphore, #tpu.memory_space<semaphore_mem>>, %arg11: memref<64xi32, #tpu.memory_space<vmem>>, %arg12: memref<64x128xf32, #tpu.memory_space<vmem>>, %arg13: memref<!tpu.dma_semaphore, #tpu.memory_space<semaphore_mem>>) attributes {dimension_semantics = [#tpu.dimension_semantics<core_parallel>, #tpu.dimension_semantics<subcore_parallel>], iteration_bounds = array<i64: 2, 16>, scalar_prefetch = 0 : i64, scratch_operands = 7 : i64, tpu.core_type = #tpu.core_type<sc_vector_subcore>, window_params = [{transform_indices = #map}, {transform_indices = #map1}, {transform_indices = #map1}, {transform_indices = #map}, {transform_indices = #map}]} {
    %mul3A = arith.constant 2 : i32
    %mul3A_0 = arith.muli %arg1, %mul3A : i32
    %add3A = arith.addi %mul3A_0, %arg0 : i32
    %mul3A_1 = arith.constant 16384 : i32
    %mul3A_2 = arith.muli %add3A, %mul3A_1 : i32
    %scan3A = arith.constant 0 : i32
    %scan3A_3 = arith.constant 32 : i32
    %scan3A_4 = arith.addi %scan3A, %scan3A_3 : i32
    %scan3A_5 = arith.constant 1 : i32
    scf.for %scan3A_117 = %scan3A to %scan3A_4 step %scan3A_5  : i32 {
      %mul3A_118 = arith.constant 4 : i32
      %mul3A_119 = arith.muli %scan3A_117, %mul3A_118 : i32
      %add3A_120 = arith.constant 0 : i32
      %add3A_121 = arith.addi %add3A_120, %mul3A_119 : i32
      %add3A_122 = arith.constant 0 : i32
      %add3A_123 = arith.addi %add3A_121, %add3A_122 : i32
      %ge3A = arith.constant 4 : i32
      %ge3A_124 = arith.cmpi sge, %add3A_123, %ge3A : i32
      %convert_element_type3A = arith.extui %ge3A_124 : i1 to i32
      %cond3A = arith.constant 0 : i32
      %cond3A_125 = arith.cmpi ne, %convert_element_type3A, %cond3A : i32
      scf.if %cond3A_125 {
        %dma_wait3A_250 = arith.constant 0 : i32
        %dma_wait3A_251 = arith.constant 0 : i32
        %dma_wait3A_252 = arith.constant 0 : i32
        %dma_wait3A_253 = arith.constant 0 : i32
        %dma_wait3A_254 = tpu.memref_slice %arg8[%dma_wait3A_250, %dma_wait3A_252, %dma_wait3A_253] : memref<4x128x128xf32, #tpu.memory_space<vmem>> -> memref<1x128x128xf32, #tpu.memory_space<vmem>>
        %dma_wait3A_255 = tpu.memref_squeeze %dma_wait3A_254 : memref<1x128x128xf32, #tpu.memory_space<vmem>> -> memref<128x128xf32, #tpu.memory_space<vmem>>
        %dma_wait3A_256 = arith.constant 0 : i32
        %dma_wait3A_257 = arith.constant 0 : i32
        %dma_wait3A_258 = tpu.memref_slice %arg5[%dma_wait3A_256, %dma_wait3A_257] : memref<524288x128xf32, #tpu.memory_space<hbm>> -> memref<128x128xf32, #tpu.memory_space<hbm>>
        %dma_wait3A_259 = tpu.memref_slice %arg10[%dma_wait3A_251] : memref<4x!tpu.dma_semaphore, #tpu.memory_space<semaphore_mem>> -> memref<1x!tpu.dma_semaphore, #tpu.memory_space<semaphore_mem>>
        %dma_wait3A_260 = tpu.memref_squeeze %dma_wait3A_259 : memref<1x!tpu.dma_semaphore, #tpu.memory_space<semaphore_mem>> -> memref<!tpu.dma_semaphore, #tpu.memory_space<semaphore_mem>>
        %dma_wait3A_261 = arith.constant 0 : i32
        %dma_wait3A_262 = arith.constant 0 : i32
        %dma_wait3A_263 = tpu.memref_slice %arg5[%dma_wait3A_261, %dma_wait3A_262] : memref<524288x128xf32, #tpu.memory_space<hbm>> -> memref<128x128xf32, #tpu.memory_space<hbm>>
        %dma_wait3A_264 = arith.constant 0 : i32
        %dma_wait3A_265 = arith.constant 0 : i32
        %dma_wait3A_266 = tpu.memref_slice %arg8[%dma_wait3A_250, %dma_wait3A_264, %dma_wait3A_265] : memref<4x128x128xf32, #tpu.memory_space<vmem>> -> memref<1x128x128xf32, #tpu.memory_space<vmem>>
        %dma_wait3A_267 = tpu.memref_squeeze %dma_wait3A_266 : memref<1x128x128xf32, #tpu.memory_space<vmem>> -> memref<128x128xf32, #tpu.memory_space<vmem>>
        tpu.wait_dma2 semaphore(%dma_wait3A_260 : memref<!tpu.dma_semaphore, #tpu.memory_space<semaphore_mem>>) src(%dma_wait3A_267 : memref<128x128xf32, #tpu.memory_space<vmem>>) dst(%dma_wait3A_263 : memref<128x128xf32, #tpu.memory_space<hbm>>)
      } else {
      }
      %add3A_126 = arith.constant 0 : i32
      %add3A_127 = arith.addi %add3A_126, %mul3A_2 : i32
      %mul3A_128 = arith.constant 128 : i32
      %mul3A_129 = arith.muli %add3A_123, %mul3A_128 : i32
      %add3A_130 = arith.addi %add3A_127, %mul3A_129 : i32
      %run_scoped3A = arith.constant 0 : i32
      "tpu.region"() ({
        %run_scoped3A_250 = tpu.sem_alloc : memref<!tpu.dma_semaphore, #tpu.memory_space<semaphore_mem>>
        %dma_start3A_251 = arith.constant 0 : i32
        %dma_start3A_252 = tpu.memref_slice %arg7[%run_scoped3A, %dma_start3A_251] : memref<4x128xi32, #tpu.memory_space<vmem>> -> memref<1x128xi32, #tpu.memory_space<vmem>>
        %dma_start3A_253 = tpu.memref_squeeze %dma_start3A_252 : memref<1x128xi32, #tpu.memory_space<vmem>> -> memref<128xi32, #tpu.memory_space<vmem>>
        %dma_start3A_254 = tpu.memref_slice %arg3[%add3A_130] : memref<524288xi32, #tpu.memory_space<hbm>> -> memref<128xi32, #tpu.memory_space<hbm>>
        %dma_start3A_255 = arith.constant 0 : i32
        %dma_start3A_256 = tpu.memref_slice %arg7[%run_scoped3A, %dma_start3A_255] : memref<4x128xi32, #tpu.memory_space<vmem>> -> memref<1x128xi32, #tpu.memory_space<vmem>>
        %dma_start3A_257 = tpu.memref_squeeze %dma_start3A_256 : memref<1x128xi32, #tpu.memory_space<vmem>> -> memref<128xi32, #tpu.memory_space<vmem>>
        %dma_start3A_258 = tpu.memref_slice %arg3[%add3A_130] : memref<524288xi32, #tpu.memory_space<hbm>> -> memref<128xi32, #tpu.memory_space<hbm>>
        tpu.enqueue_dma source(%dma_start3A_258 : memref<128xi32, #tpu.memory_space<hbm>>) target(%dma_start3A_257 : memref<128xi32, #tpu.memory_space<vmem>>) target_semaphore(%run_scoped3A_250 : memref<!tpu.dma_semaphore, #tpu.memory_space<semaphore_mem>>)
        %dma_wait3A_259 = arith.constant 0 : i32
        %dma_wait3A_260 = tpu.memref_slice %arg7[%run_scoped3A, %dma_wait3A_259] : memref<4x128xi32, #tpu.memory_space<vmem>> -> memref<1x128xi32, #tpu.memory_space<vmem>>
        %dma_wait3A_261 = tpu.memref_squeeze %dma_wait3A_260 : memref<1x128xi32, #tpu.memory_space<vmem>> -> memref<128xi32, #tpu.memory_space<vmem>>
        %dma_wait3A_262 = tpu.memref_slice %arg3[%add3A_130] : memref<524288xi32, #tpu.memory_space<hbm>> -> memref<128xi32, #tpu.memory_space<hbm>>
        %dma_wait3A_263 = arith.constant 0 : i32
        %dma_wait3A_264 = tpu.memref_slice %arg7[%run_scoped3A, %dma_wait3A_263] : memref<4x128xi32, #tpu.memory_space<vmem>> -> memref<1x128xi32, #tpu.memory_space<vmem>>
        %dma_wait3A_265 = tpu.memref_squeeze %dma_wait3A_264 : memref<1x128xi32, #tpu.memory_space<vmem>> -> memref<128xi32, #tpu.memory_space<vmem>>
        %dma_wait3A_266 = tpu.memref_slice %arg3[%add3A_130] : memref<524288xi32, #tpu.memory_space<hbm>> -> memref<128xi32, #tpu.memory_space<hbm>>
        tpu.wait_dma2 semaphore(%run_scoped3A_250 : memref<!tpu.dma_semaphore, #tpu.memory_space<semaphore_mem>>) src(%dma_wait3A_266 : memref<128xi32, #tpu.memory_space<hbm>>) dst(%dma_wait3A_265 : memref<128xi32, #tpu.memory_space<vmem>>)
        tpu.yield
      }) : () -> ()
      %dma_start3A_131 = arith.constant 0 : i32
      %dma_start3A_132 = arith.constant 0 : i32
      %dma_start3A_133 = arith.constant 0 : i32
      %dma_start3A_134 = arith.constant 0 : i32
      %dma_start3A_135 = arith.constant 0 : i32
      %dma_start3A_136 = tpu.memref_slice %arg8[%dma_start3A_132, %dma_start3A_134, %dma_start3A_135] : memref<4x128x128xf32, #tpu.memory_space<vmem>> -> memref<1x128x128xf32, #tpu.memory_space<vmem>>
      %dma_start3A_137 = tpu.memref_squeeze %dma_start3A_136 : memref<1x128x128xf32, #tpu.memory_space<vmem>> -> memref<128x128xf32, #tpu.memory_space<vmem>>
      %dma_start3A_138 = arith.constant 0 : i32
      %dma_start3A_139 = tpu.memref_slice %arg7[%dma_start3A_131, %dma_start3A_138] : memref<4x128xi32, #tpu.memory_space<vmem>> -> memref<1x128xi32, #tpu.memory_space<vmem>>
      %dma_start3A_140 = tpu.memref_squeeze %dma_start3A_139 : memref<1x128xi32, #tpu.memory_space<vmem>> -> memref<128xi32, #tpu.memory_space<vmem>>
      %dma_start3A_141 = arith.constant 0 : i32
      %dma_start3A_142 = arith.constant 0 : i32
      %dma_start3A_143 = tpu.memref_slice %arg2[%dma_start3A_141, %dma_start3A_142] : memref<100000x128xf32, #tpu.memory_space<hbm>> -> memref<100000x128xf32, #tpu.memory_space<hbm>>
      %dma_start3A_144 = tpu.memref_slice %arg9[%dma_start3A_133] : memref<4x!tpu.dma_semaphore, #tpu.memory_space<semaphore_mem>> -> memref<1x!tpu.dma_semaphore, #tpu.memory_space<semaphore_mem>>
      %dma_start3A_145 = tpu.memref_squeeze %dma_start3A_144 : memref<1x!tpu.dma_semaphore, #tpu.memory_space<semaphore_mem>> -> memref<!tpu.dma_semaphore, #tpu.memory_space<semaphore_mem>>
      tpu.enqueue_indirect_dma source(%dma_start3A_143 : memref<100000x128xf32, #tpu.memory_space<hbm>>) target(%dma_start3A_137 : memref<128x128xf32, #tpu.memory_space<vmem>>) offsets(%dma_start3A_140 : memref<128xi32, #tpu.memory_space<vmem>>) semaphore(%dma_start3A_145 : memref<!tpu.dma_semaphore, #tpu.memory_space<semaphore_mem>>)
      %ge3A_146 = arith.constant 1 : i32
      %ge3A_147 = arith.cmpi sge, %add3A_123, %ge3A_146 : i32
      %convert_element_type3A_148 = arith.extui %ge3A_147 : i1 to i32
      %cond3A_149 = arith.constant 0 : i32
      %cond3A_150 = arith.cmpi ne, %convert_element_type3A_148, %cond3A_149 : i32
      scf.if %cond3A_150 {
        %dma_wait3A_250 = arith.constant 3 : i32
        %dma_wait3A_251 = arith.constant 3 : i32
        %dma_wait3A_252 = arith.constant 3 : i32
        %dma_wait3A_253 = arith.constant 0 : i32
        %dma_wait3A_254 = arith.constant 0 : i32
        %dma_wait3A_255 = tpu.memref_slice %arg8[%dma_wait3A_251, %dma_wait3A_253, %dma_wait3A_254] : memref<4x128x128xf32, #tpu.memory_space<vmem>> -> memref<1x128x128xf32, #tpu.memory_space<vmem>>
        %dma_wait3A_256 = tpu.memref_squeeze %dma_wait3A_255 : memref<1x128x128xf32, #tpu.memory_space<vmem>> -> memref<128x128xf32, #tpu.memory_space<vmem>>
        %dma_wait3A_257 = arith.constant 0 : i32
        %dma_wait3A_258 = tpu.memref_slice %arg7[%dma_wait3A_250, %dma_wait3A_257] : memref<4x128xi32, #tpu.memory_space<vmem>> -> memref<1x128xi32, #tpu.memory_space<vmem>>
        %dma_wait3A_259 = tpu.memref_squeeze %dma_wait3A_258 : memref<1x128xi32, #tpu.memory_space<vmem>> -> memref<128xi32, #tpu.memory_space<vmem>>
        %dma_wait3A_260 = arith.constant 0 : i32
        %dma_wait3A_261 = arith.constant 0 : i32
        %dma_wait3A_262 = tpu.memref_slice %arg2[%dma_wait3A_260, %dma_wait3A_261] : memref<100000x128xf32, #tpu.memory_space<hbm>> -> memref<100000x128xf32, #tpu.memory_space<hbm>>
        %dma_wait3A_263 = tpu.memref_slice %arg9[%dma_wait3A_252] : memref<4x!tpu.dma_semaphore, #tpu.memory_space<semaphore_mem>> -> memref<1x!tpu.dma_semaphore, #tpu.memory_space<semaphore_mem>>
        %dma_wait3A_264 = tpu.memref_squeeze %dma_wait3A_263 : memref<1x!tpu.dma_semaphore, #tpu.memory_space<semaphore_mem>> -> memref<!tpu.dma_semaphore, #tpu.memory_space<semaphore_mem>>
        tpu.wait_indirect_dma semaphore(%dma_wait3A_264 : memref<!tpu.dma_semaphore, #tpu.memory_space<semaphore_mem>>) src(%dma_wait3A_262 : memref<100000x128xf32, #tpu.memory_space<hbm>>) dst(%dma_wait3A_256 : memref<128x128xf32, #tpu.memory_space<vmem>>)
        %mul3A_265 = arith.constant 128 : i32
        %mul3A_266 = arith.muli %add3A_123, %mul3A_265 : i32
        %add3A_267 = arith.addi %mul3A_2, %mul3A_266 : i32
        %sub3A = arith.constant 128 : i32
        %sub3A_268 = arith.subi %add3A_267, %sub3A : i32
        %dma_start3A_269 = arith.constant 3 : i32
        %dma_start3A_270 = arith.constant 3 : i32
        %dma_start3A_271 = arith.constant 0 : i32
        %dma_start3A_272 = arith.constant 0 : i32
        %dma_start3A_273 = tpu.memref_slice %arg8[%dma_start3A_269, %dma_start3A_271, %dma_start3A_272] : memref<4x128x128xf32, #tpu.memory_space<vmem>> -> memref<1x128x128xf32, #tpu.memory_space<vmem>>
        %dma_start3A_274 = tpu.memref_squeeze %dma_start3A_273 : memref<1x128x128xf32, #tpu.memory_space<vmem>> -> memref<128x128xf32, #tpu.memory_space<vmem>>
        %dma_start3A_275 = arith.constant 0 : i32
        %dma_start3A_276 = tpu.memref_slice %arg5[%sub3A_268, %dma_start3A_275] : memref<524288x128xf32, #tpu.memory_space<hbm>> -> memref<128x128xf32, #tpu.memory_space<hbm>>
        %dma_start3A_277 = tpu.memref_slice %arg10[%dma_start3A_270] : memref<4x!tpu.dma_semaphore, #tpu.memory_space<semaphore_mem>> -> memref<1x!tpu.dma_semaphore, #tpu.memory_space<semaphore_mem>>
        %dma_start3A_278 = tpu.memref_squeeze %dma_start3A_277 : memref<1x!tpu.dma_semaphore, #tpu.memory_space<semaphore_mem>> -> memref<!tpu.dma_semaphore, #tpu.memory_space<semaphore_mem>>
        %dma_start3A_279 = arith.constant 0 : i32
        %dma_start3A_280 = tpu.memref_slice %arg5[%sub3A_268, %dma_start3A_279] : memref<524288x128xf32, #tpu.memory_space<hbm>> -> memref<128x128xf32, #tpu.memory_space<hbm>>
        %dma_start3A_281 = arith.constant 0 : i32
        %dma_start3A_282 = arith.constant 0 : i32
        %dma_start3A_283 = tpu.memref_slice %arg8[%dma_start3A_269, %dma_start3A_281, %dma_start3A_282] : memref<4x128x128xf32, #tpu.memory_space<vmem>> -> memref<1x128x128xf32, #tpu.memory_space<vmem>>
        %dma_start3A_284 = tpu.memref_squeeze %dma_start3A_283 : memref<1x128x128xf32, #tpu.memory_space<vmem>> -> memref<128x128xf32, #tpu.memory_space<vmem>>
        tpu.enqueue_dma source(%dma_start3A_284 : memref<128x128xf32, #tpu.memory_space<vmem>>) target(%dma_start3A_280 : memref<128x128xf32, #tpu.memory_space<hbm>>) target_semaphore(%dma_start3A_278 : memref<!tpu.dma_semaphore, #tpu.memory_space<semaphore_mem>>)
      } else {
      }
      %add3A_151 = arith.constant 1 : i32
      %add3A_152 = arith.addi %add3A_121, %add3A_151 : i32
      %ge3A_153 = arith.constant 4 : i32
      %ge3A_154 = arith.cmpi sge, %add3A_152, %ge3A_153 : i32
      %convert_element_type3A_155 = arith.extui %ge3A_154 : i1 to i32
      %cond3A_156 = arith.constant 0 : i32
      %cond3A_157 = arith.cmpi ne, %convert_element_type3A_155, %cond3A_156 : i32
      scf.if %cond3A_157 {
        %dma_wait3A_250 = arith.constant 1 : i32
        %dma_wait3A_251 = arith.constant 1 : i32
        %dma_wait3A_252 = arith.constant 0 : i32
        %dma_wait3A_253 = arith.constant 0 : i32
        %dma_wait3A_254 = tpu.memref_slice %arg8[%dma_wait3A_250, %dma_wait3A_252, %dma_wait3A_253] : memref<4x128x128xf32, #tpu.memory_space<vmem>> -> memref<1x128x128xf32, #tpu.memory_space<vmem>>
        %dma_wait3A_255 = tpu.memref_squeeze %dma_wait3A_254 : memref<1x128x128xf32, #tpu.memory_space<vmem>> -> memref<128x128xf32, #tpu.memory_space<vmem>>
        %dma_wait3A_256 = arith.constant 0 : i32
        %dma_wait3A_257 = arith.constant 0 : i32
        %dma_wait3A_258 = tpu.memref_slice %arg5[%dma_wait3A_256, %dma_wait3A_257] : memref<524288x128xf32, #tpu.memory_space<hbm>> -> memref<128x128xf32, #tpu.memory_space<hbm>>
        %dma_wait3A_259 = tpu.memref_slice %arg10[%dma_wait3A_251] : memref<4x!tpu.dma_semaphore, #tpu.memory_space<semaphore_mem>> -> memref<1x!tpu.dma_semaphore, #tpu.memory_space<semaphore_mem>>
        %dma_wait3A_260 = tpu.memref_squeeze %dma_wait3A_259 : memref<1x!tpu.dma_semaphore, #tpu.memory_space<semaphore_mem>> -> memref<!tpu.dma_semaphore, #tpu.memory_space<semaphore_mem>>
        %dma_wait3A_261 = arith.constant 0 : i32
        %dma_wait3A_262 = arith.constant 0 : i32
        %dma_wait3A_263 = tpu.memref_slice %arg5[%dma_wait3A_261, %dma_wait3A_262] : memref<524288x128xf32, #tpu.memory_space<hbm>> -> memref<128x128xf32, #tpu.memory_space<hbm>>
        %dma_wait3A_264 = arith.constant 0 : i32
        %dma_wait3A_265 = arith.constant 0 : i32
        %dma_wait3A_266 = tpu.memref_slice %arg8[%dma_wait3A_250, %dma_wait3A_264, %dma_wait3A_265] : memref<4x128x128xf32, #tpu.memory_space<vmem>> -> memref<1x128x128xf32, #tpu.memory_space<vmem>>
        %dma_wait3A_267 = tpu.memref_squeeze %dma_wait3A_266 : memref<1x128x128xf32, #tpu.memory_space<vmem>> -> memref<128x128xf32, #tpu.memory_space<vmem>>
        tpu.wait_dma2 semaphore(%dma_wait3A_260 : memref<!tpu.dma_semaphore, #tpu.memory_space<semaphore_mem>>) src(%dma_wait3A_267 : memref<128x128xf32, #tpu.memory_space<vmem>>) dst(%dma_wait3A_263 : memref<128x128xf32, #tpu.memory_space<hbm>>)
      } else {
      }
      %add3A_158 = arith.constant 0 : i32
      %add3A_159 = arith.addi %add3A_158, %mul3A_2 : i32
      %mul3A_160 = arith.constant 128 : i32
      %mul3A_161 = arith.muli %add3A_152, %mul3A_160 : i32
      %add3A_162 = arith.addi %add3A_159, %mul3A_161 : i32
      %run_scoped3A_163 = arith.constant 1 : i32
      "tpu.region"() ({
        %run_scoped3A_250 = tpu.sem_alloc : memref<!tpu.dma_semaphore, #tpu.memory_space<semaphore_mem>>
        %dma_start3A_251 = arith.constant 0 : i32
        %dma_start3A_252 = tpu.memref_slice %arg7[%run_scoped3A_163, %dma_start3A_251] : memref<4x128xi32, #tpu.memory_space<vmem>> -> memref<1x128xi32, #tpu.memory_space<vmem>>
        %dma_start3A_253 = tpu.memref_squeeze %dma_start3A_252 : memref<1x128xi32, #tpu.memory_space<vmem>> -> memref<128xi32, #tpu.memory_space<vmem>>
        %dma_start3A_254 = tpu.memref_slice %arg3[%add3A_162] : memref<524288xi32, #tpu.memory_space<hbm>> -> memref<128xi32, #tpu.memory_space<hbm>>
        %dma_start3A_255 = arith.constant 0 : i32
        %dma_start3A_256 = tpu.memref_slice %arg7[%run_scoped3A_163, %dma_start3A_255] : memref<4x128xi32, #tpu.memory_space<vmem>> -> memref<1x128xi32, #tpu.memory_space<vmem>>
        %dma_start3A_257 = tpu.memref_squeeze %dma_start3A_256 : memref<1x128xi32, #tpu.memory_space<vmem>> -> memref<128xi32, #tpu.memory_space<vmem>>
        %dma_start3A_258 = tpu.memref_slice %arg3[%add3A_162] : memref<524288xi32, #tpu.memory_space<hbm>> -> memref<128xi32, #tpu.memory_space<hbm>>
        tpu.enqueue_dma source(%dma_start3A_258 : memref<128xi32, #tpu.memory_space<hbm>>) target(%dma_start3A_257 : memref<128xi32, #tpu.memory_space<vmem>>) target_semaphore(%run_scoped3A_250 : memref<!tpu.dma_semaphore, #tpu.memory_space<semaphore_mem>>)
        %dma_wait3A_259 = arith.constant 0 : i32
        %dma_wait3A_260 = tpu.memref_slice %arg7[%run_scoped3A_163, %dma_wait3A_259] : memref<4x128xi32, #tpu.memory_space<vmem>> -> memref<1x128xi32, #tpu.memory_space<vmem>>
        %dma_wait3A_261 = tpu.memref_squeeze %dma_wait3A_260 : memref<1x128xi32, #tpu.memory_space<vmem>> -> memref<128xi32, #tpu.memory_space<vmem>>
        %dma_wait3A_262 = tpu.memref_slice %arg3[%add3A_162] : memref<524288xi32, #tpu.memory_space<hbm>> -> memref<128xi32, #tpu.memory_space<hbm>>
        %dma_wait3A_263 = arith.constant 0 : i32
        %dma_wait3A_264 = tpu.memref_slice %arg7[%run_scoped3A_163, %dma_wait3A_263] : memref<4x128xi32, #tpu.memory_space<vmem>> -> memref<1x128xi32, #tpu.memory_space<vmem>>
        %dma_wait3A_265 = tpu.memref_squeeze %dma_wait3A_264 : memref<1x128xi32, #tpu.memory_space<vmem>> -> memref<128xi32, #tpu.memory_space<vmem>>
        %dma_wait3A_266 = tpu.memref_slice %arg3[%add3A_162] : memref<524288xi32, #tpu.memory_space<hbm>> -> memref<128xi32, #tpu.memory_space<hbm>>
        tpu.wait_dma2 semaphore(%run_scoped3A_250 : memref<!tpu.dma_semaphore, #tpu.memory_space<semaphore_mem>>) src(%dma_wait3A_266 : memref<128xi32, #tpu.memory_space<hbm>>) dst(%dma_wait3A_265 : memref<128xi32, #tpu.memory_space<vmem>>)
        tpu.yield
      }) : () -> ()
      %dma_start3A_164 = arith.constant 1 : i32
      %dma_start3A_165 = arith.constant 1 : i32
      %dma_start3A_166 = arith.constant 1 : i32
      %dma_start3A_167 = arith.constant 0 : i32
      %dma_start3A_168 = arith.constant 0 : i32
      %dma_start3A_169 = tpu.memref_slice %arg8[%dma_start3A_165, %dma_start3A_167, %dma_start3A_168] : memref<4x128x128xf32, #tpu.memory_space<vmem>> -> memref<1x128x128xf32, #tpu.memory_space<vmem>>
      %dma_start3A_170 = tpu.memref_squeeze %dma_start3A_169 : memref<1x128x128xf32, #tpu.memory_space<vmem>> -> memref<128x128xf32, #tpu.memory_space<vmem>>
      %dma_start3A_171 = arith.constant 0 : i32
      %dma_start3A_172 = tpu.memref_slice %arg7[%dma_start3A_164, %dma_start3A_171] : memref<4x128xi32, #tpu.memory_space<vmem>> -> memref<1x128xi32, #tpu.memory_space<vmem>>
      %dma_start3A_173 = tpu.memref_squeeze %dma_start3A_172 : memref<1x128xi32, #tpu.memory_space<vmem>> -> memref<128xi32, #tpu.memory_space<vmem>>
      %dma_start3A_174 = arith.constant 0 : i32
      %dma_start3A_175 = arith.constant 0 : i32
      %dma_start3A_176 = tpu.memref_slice %arg2[%dma_start3A_174, %dma_start3A_175] : memref<100000x128xf32, #tpu.memory_space<hbm>> -> memref<100000x128xf32, #tpu.memory_space<hbm>>
      %dma_start3A_177 = tpu.memref_slice %arg9[%dma_start3A_166] : memref<4x!tpu.dma_semaphore, #tpu.memory_space<semaphore_mem>> -> memref<1x!tpu.dma_semaphore, #tpu.memory_space<semaphore_mem>>
      %dma_start3A_178 = tpu.memref_squeeze %dma_start3A_177 : memref<1x!tpu.dma_semaphore, #tpu.memory_space<semaphore_mem>> -> memref<!tpu.dma_semaphore, #tpu.memory_space<semaphore_mem>>
      tpu.enqueue_indirect_dma source(%dma_start3A_176 : memref<100000x128xf32, #tpu.memory_space<hbm>>) target(%dma_start3A_170 : memref<128x128xf32, #tpu.memory_space<vmem>>) offsets(%dma_start3A_173 : memref<128xi32, #tpu.memory_space<vmem>>) semaphore(%dma_start3A_178 : memref<!tpu.dma_semaphore, #tpu.memory_space<semaphore_mem>>)
      %ge3A_179 = arith.constant 1 : i32
      %ge3A_180 = arith.cmpi sge, %add3A_152, %ge3A_179 : i32
      %convert_element_type3A_181 = arith.extui %ge3A_180 : i1 to i32
      %cond3A_182 = arith.constant 0 : i32
      %cond3A_183 = arith.cmpi ne, %convert_element_type3A_181, %cond3A_182 : i32
      scf.if %cond3A_183 {
        %dma_wait3A_250 = arith.constant 0 : i32
        %dma_wait3A_251 = arith.constant 0 : i32
        %dma_wait3A_252 = arith.constant 0 : i32
        %dma_wait3A_253 = arith.constant 0 : i32
        %dma_wait3A_254 = arith.constant 0 : i32
        %dma_wait3A_255 = tpu.memref_slice %arg8[%dma_wait3A_251, %dma_wait3A_253, %dma_wait3A_254] : memref<4x128x128xf32, #tpu.memory_space<vmem>> -> memref<1x128x128xf32, #tpu.memory_space<vmem>>
        %dma_wait3A_256 = tpu.memref_squeeze %dma_wait3A_255 : memref<1x128x128xf32, #tpu.memory_space<vmem>> -> memref<128x128xf32, #tpu.memory_space<vmem>>
        %dma_wait3A_257 = arith.constant 0 : i32
        %dma_wait3A_258 = tpu.memref_slice %arg7[%dma_wait3A_250, %dma_wait3A_257] : memref<4x128xi32, #tpu.memory_space<vmem>> -> memref<1x128xi32, #tpu.memory_space<vmem>>
        %dma_wait3A_259 = tpu.memref_squeeze %dma_wait3A_258 : memref<1x128xi32, #tpu.memory_space<vmem>> -> memref<128xi32, #tpu.memory_space<vmem>>
        %dma_wait3A_260 = arith.constant 0 : i32
        %dma_wait3A_261 = arith.constant 0 : i32
        %dma_wait3A_262 = tpu.memref_slice %arg2[%dma_wait3A_260, %dma_wait3A_261] : memref<100000x128xf32, #tpu.memory_space<hbm>> -> memref<100000x128xf32, #tpu.memory_space<hbm>>
        %dma_wait3A_263 = tpu.memref_slice %arg9[%dma_wait3A_252] : memref<4x!tpu.dma_semaphore, #tpu.memory_space<semaphore_mem>> -> memref<1x!tpu.dma_semaphore, #tpu.memory_space<semaphore_mem>>
        %dma_wait3A_264 = tpu.memref_squeeze %dma_wait3A_263 : memref<1x!tpu.dma_semaphore, #tpu.memory_space<semaphore_mem>> -> memref<!tpu.dma_semaphore, #tpu.memory_space<semaphore_mem>>
        tpu.wait_indirect_dma semaphore(%dma_wait3A_264 : memref<!tpu.dma_semaphore, #tpu.memory_space<semaphore_mem>>) src(%dma_wait3A_262 : memref<100000x128xf32, #tpu.memory_space<hbm>>) dst(%dma_wait3A_256 : memref<128x128xf32, #tpu.memory_space<vmem>>)
        %mul3A_265 = arith.constant 128 : i32
        %mul3A_266 = arith.muli %add3A_152, %mul3A_265 : i32
        %add3A_267 = arith.addi %mul3A_2, %mul3A_266 : i32
        %sub3A = arith.constant 128 : i32
        %sub3A_268 = arith.subi %add3A_267, %sub3A : i32
        %dma_start3A_269 = arith.constant 0 : i32
        %dma_start3A_270 = arith.constant 0 : i32
        %dma_start3A_271 = arith.constant 0 : i32
        %dma_start3A_272 = arith.constant 0 : i32
        %dma_start3A_273 = tpu.memref_slice %arg8[%dma_start3A_269, %dma_start3A_271, %dma_start3A_272] : memref<4x128x128xf32, #tpu.memory_space<vmem>> -> memref<1x128x128xf32, #tpu.memory_space<vmem>>
        %dma_start3A_274 = tpu.memref_squeeze %dma_start3A_273 : memref<1x128x128xf32, #tpu.memory_space<vmem>> -> memref<128x128xf32, #tpu.memory_space<vmem>>
        %dma_start3A_275 = arith.constant 0 : i32
        %dma_start3A_276 = tpu.memref_slice %arg5[%sub3A_268, %dma_start3A_275] : memref<524288x128xf32, #tpu.memory_space<hbm>> -> memref<128x128xf32, #tpu.memory_space<hbm>>
        %dma_start3A_277 = tpu.memref_slice %arg10[%dma_start3A_270] : memref<4x!tpu.dma_semaphore, #tpu.memory_space<semaphore_mem>> -> memref<1x!tpu.dma_semaphore, #tpu.memory_space<semaphore_mem>>
        %dma_start3A_278 = tpu.memref_squeeze %dma_start3A_277 : memref<1x!tpu.dma_semaphore, #tpu.memory_space<semaphore_mem>> -> memref<!tpu.dma_semaphore, #tpu.memory_space<semaphore_mem>>
        %dma_start3A_279 = arith.constant 0 : i32
        %dma_start3A_280 = tpu.memref_slice %arg5[%sub3A_268, %dma_start3A_279] : memref<524288x128xf32, #tpu.memory_space<hbm>> -> memref<128x128xf32, #tpu.memory_space<hbm>>
        %dma_start3A_281 = arith.constant 0 : i32
        %dma_start3A_282 = arith.constant 0 : i32
        %dma_start3A_283 = tpu.memref_slice %arg8[%dma_start3A_269, %dma_start3A_281, %dma_start3A_282] : memref<4x128x128xf32, #tpu.memory_space<vmem>> -> memref<1x128x128xf32, #tpu.memory_space<vmem>>
        %dma_start3A_284 = tpu.memref_squeeze %dma_start3A_283 : memref<1x128x128xf32, #tpu.memory_space<vmem>> -> memref<128x128xf32, #tpu.memory_space<vmem>>
        tpu.enqueue_dma source(%dma_start3A_284 : memref<128x128xf32, #tpu.memory_space<vmem>>) target(%dma_start3A_280 : memref<128x128xf32, #tpu.memory_space<hbm>>) target_semaphore(%dma_start3A_278 : memref<!tpu.dma_semaphore, #tpu.memory_space<semaphore_mem>>)
      } else {
      }
      %add3A_184 = arith.constant 2 : i32
      %add3A_185 = arith.addi %add3A_121, %add3A_184 : i32
      %ge3A_186 = arith.constant 4 : i32
      %ge3A_187 = arith.cmpi sge, %add3A_185, %ge3A_186 : i32
      %convert_element_type3A_188 = arith.extui %ge3A_187 : i1 to i32
      %cond3A_189 = arith.constant 0 : i32
      %cond3A_190 = arith.cmpi ne, %convert_element_type3A_188, %cond3A_189 : i32
      scf.if %cond3A_190 {
        %dma_wait3A_250 = arith.constant 2 : i32
        %dma_wait3A_251 = arith.constant 2 : i32
        %dma_wait3A_252 = arith.constant 0 : i32
        %dma_wait3A_253 = arith.constant 0 : i32
        %dma_wait3A_254 = tpu.memref_slice %arg8[%dma_wait3A_250, %dma_wait3A_252, %dma_wait3A_253] : memref<4x128x128xf32, #tpu.memory_space<vmem>> -> memref<1x128x128xf32, #tpu.memory_space<vmem>>
        %dma_wait3A_255 = tpu.memref_squeeze %dma_wait3A_254 : memref<1x128x128xf32, #tpu.memory_space<vmem>> -> memref<128x128xf32, #tpu.memory_space<vmem>>
        %dma_wait3A_256 = arith.constant 0 : i32
        %dma_wait3A_257 = arith.constant 0 : i32
        %dma_wait3A_258 = tpu.memref_slice %arg5[%dma_wait3A_256, %dma_wait3A_257] : memref<524288x128xf32, #tpu.memory_space<hbm>> -> memref<128x128xf32, #tpu.memory_space<hbm>>
        %dma_wait3A_259 = tpu.memref_slice %arg10[%dma_wait3A_251] : memref<4x!tpu.dma_semaphore, #tpu.memory_space<semaphore_mem>> -> memref<1x!tpu.dma_semaphore, #tpu.memory_space<semaphore_mem>>
        %dma_wait3A_260 = tpu.memref_squeeze %dma_wait3A_259 : memref<1x!tpu.dma_semaphore, #tpu.memory_space<semaphore_mem>> -> memref<!tpu.dma_semaphore, #tpu.memory_space<semaphore_mem>>
        %dma_wait3A_261 = arith.constant 0 : i32
        %dma_wait3A_262 = arith.constant 0 : i32
        %dma_wait3A_263 = tpu.memref_slice %arg5[%dma_wait3A_261, %dma_wait3A_262] : memref<524288x128xf32, #tpu.memory_space<hbm>> -> memref<128x128xf32, #tpu.memory_space<hbm>>
        %dma_wait3A_264 = arith.constant 0 : i32
        %dma_wait3A_265 = arith.constant 0 : i32
        %dma_wait3A_266 = tpu.memref_slice %arg8[%dma_wait3A_250, %dma_wait3A_264, %dma_wait3A_265] : memref<4x128x128xf32, #tpu.memory_space<vmem>> -> memref<1x128x128xf32, #tpu.memory_space<vmem>>
        %dma_wait3A_267 = tpu.memref_squeeze %dma_wait3A_266 : memref<1x128x128xf32, #tpu.memory_space<vmem>> -> memref<128x128xf32, #tpu.memory_space<vmem>>
        tpu.wait_dma2 semaphore(%dma_wait3A_260 : memref<!tpu.dma_semaphore, #tpu.memory_space<semaphore_mem>>) src(%dma_wait3A_267 : memref<128x128xf32, #tpu.memory_space<vmem>>) dst(%dma_wait3A_263 : memref<128x128xf32, #tpu.memory_space<hbm>>)
      } else {
      }
      %add3A_191 = arith.constant 0 : i32
      %add3A_192 = arith.addi %add3A_191, %mul3A_2 : i32
      %mul3A_193 = arith.constant 128 : i32
      %mul3A_194 = arith.muli %add3A_185, %mul3A_193 : i32
      %add3A_195 = arith.addi %add3A_192, %mul3A_194 : i32
      %run_scoped3A_196 = arith.constant 2 : i32
      "tpu.region"() ({
        %run_scoped3A_250 = tpu.sem_alloc : memref<!tpu.dma_semaphore, #tpu.memory_space<semaphore_mem>>
        %dma_start3A_251 = arith.constant 0 : i32
        %dma_start3A_252 = tpu.memref_slice %arg7[%run_scoped3A_196, %dma_start3A_251] : memref<4x128xi32, #tpu.memory_space<vmem>> -> memref<1x128xi32, #tpu.memory_space<vmem>>
        %dma_start3A_253 = tpu.memref_squeeze %dma_start3A_252 : memref<1x128xi32, #tpu.memory_space<vmem>> -> memref<128xi32, #tpu.memory_space<vmem>>
        %dma_start3A_254 = tpu.memref_slice %arg3[%add3A_195] : memref<524288xi32, #tpu.memory_space<hbm>> -> memref<128xi32, #tpu.memory_space<hbm>>
        %dma_start3A_255 = arith.constant 0 : i32
        %dma_start3A_256 = tpu.memref_slice %arg7[%run_scoped3A_196, %dma_start3A_255] : memref<4x128xi32, #tpu.memory_space<vmem>> -> memref<1x128xi32, #tpu.memory_space<vmem>>
        %dma_start3A_257 = tpu.memref_squeeze %dma_start3A_256 : memref<1x128xi32, #tpu.memory_space<vmem>> -> memref<128xi32, #tpu.memory_space<vmem>>
        %dma_start3A_258 = tpu.memref_slice %arg3[%add3A_195] : memref<524288xi32, #tpu.memory_space<hbm>> -> memref<128xi32, #tpu.memory_space<hbm>>
        tpu.enqueue_dma source(%dma_start3A_258 : memref<128xi32, #tpu.memory_space<hbm>>) target(%dma_start3A_257 : memref<128xi32, #tpu.memory_space<vmem>>) target_semaphore(%run_scoped3A_250 : memref<!tpu.dma_semaphore, #tpu.memory_space<semaphore_mem>>)
        %dma_wait3A_259 = arith.constant 0 : i32
        %dma_wait3A_260 = tpu.memref_slice %arg7[%run_scoped3A_196, %dma_wait3A_259] : memref<4x128xi32, #tpu.memory_space<vmem>> -> memref<1x128xi32, #tpu.memory_space<vmem>>
        %dma_wait3A_261 = tpu.memref_squeeze %dma_wait3A_260 : memref<1x128xi32, #tpu.memory_space<vmem>> -> memref<128xi32, #tpu.memory_space<vmem>>
        %dma_wait3A_262 = tpu.memref_slice %arg3[%add3A_195] : memref<524288xi32, #tpu.memory_space<hbm>> -> memref<128xi32, #tpu.memory_space<hbm>>
        %dma_wait3A_263 = arith.constant 0 : i32
        %dma_wait3A_264 = tpu.memref_slice %arg7[%run_scoped3A_196, %dma_wait3A_263] : memref<4x128xi32, #tpu.memory_space<vmem>> -> memref<1x128xi32, #tpu.memory_space<vmem>>
        %dma_wait3A_265 = tpu.memref_squeeze %dma_wait3A_264 : memref<1x128xi32, #tpu.memory_space<vmem>> -> memref<128xi32, #tpu.memory_space<vmem>>
        %dma_wait3A_266 = tpu.memref_slice %arg3[%add3A_195] : memref<524288xi32, #tpu.memory_space<hbm>> -> memref<128xi32, #tpu.memory_space<hbm>>
        tpu.wait_dma2 semaphore(%run_scoped3A_250 : memref<!tpu.dma_semaphore, #tpu.memory_space<semaphore_mem>>) src(%dma_wait3A_266 : memref<128xi32, #tpu.memory_space<hbm>>) dst(%dma_wait3A_265 : memref<128xi32, #tpu.memory_space<vmem>>)
        tpu.yield
      }) : () -> ()
      %dma_start3A_197 = arith.constant 2 : i32
      %dma_start3A_198 = arith.constant 2 : i32
      %dma_start3A_199 = arith.constant 2 : i32
      %dma_start3A_200 = arith.constant 0 : i32
      %dma_start3A_201 = arith.constant 0 : i32
      %dma_start3A_202 = tpu.memref_slice %arg8[%dma_start3A_198, %dma_start3A_200, %dma_start3A_201] : memref<4x128x128xf32, #tpu.memory_space<vmem>> -> memref<1x128x128xf32, #tpu.memory_space<vmem>>
      %dma_start3A_203 = tpu.memref_squeeze %dma_start3A_202 : memref<1x128x128xf32, #tpu.memory_space<vmem>> -> memref<128x128xf32, #tpu.memory_space<vmem>>
      %dma_start3A_204 = arith.constant 0 : i32
      %dma_start3A_205 = tpu.memref_slice %arg7[%dma_start3A_197, %dma_start3A_204] : memref<4x128xi32, #tpu.memory_space<vmem>> -> memref<1x128xi32, #tpu.memory_space<vmem>>
      %dma_start3A_206 = tpu.memref_squeeze %dma_start3A_205 : memref<1x128xi32, #tpu.memory_space<vmem>> -> memref<128xi32, #tpu.memory_space<vmem>>
      %dma_start3A_207 = arith.constant 0 : i32
      %dma_start3A_208 = arith.constant 0 : i32
      %dma_start3A_209 = tpu.memref_slice %arg2[%dma_start3A_207, %dma_start3A_208] : memref<100000x128xf32, #tpu.memory_space<hbm>> -> memref<100000x128xf32, #tpu.memory_space<hbm>>
      %dma_start3A_210 = tpu.memref_slice %arg9[%dma_start3A_199] : memref<4x!tpu.dma_semaphore, #tpu.memory_space<semaphore_mem>> -> memref<1x!tpu.dma_semaphore, #tpu.memory_space<semaphore_mem>>
      %dma_start3A_211 = tpu.memref_squeeze %dma_start3A_210 : memref<1x!tpu.dma_semaphore, #tpu.memory_space<semaphore_mem>> -> memref<!tpu.dma_semaphore, #tpu.memory_space<semaphore_mem>>
      tpu.enqueue_indirect_dma source(%dma_start3A_209 : memref<100000x128xf32, #tpu.memory_space<hbm>>) target(%dma_start3A_203 : memref<128x128xf32, #tpu.memory_space<vmem>>) offsets(%dma_start3A_206 : memref<128xi32, #tpu.memory_space<vmem>>) semaphore(%dma_start3A_211 : memref<!tpu.dma_semaphore, #tpu.memory_space<semaphore_mem>>)
      %ge3A_212 = arith.constant 1 : i32
      %ge3A_213 = arith.cmpi sge, %add3A_185, %ge3A_212 : i32
      %convert_element_type3A_214 = arith.extui %ge3A_213 : i1 to i32
      %cond3A_215 = arith.constant 0 : i32
      %cond3A_216 = arith.cmpi ne, %convert_element_type3A_214, %cond3A_215 : i32
      scf.if %cond3A_216 {
        %dma_wait3A_250 = arith.constant 1 : i32
        %dma_wait3A_251 = arith.constant 1 : i32
        %dma_wait3A_252 = arith.constant 1 : i32
        %dma_wait3A_253 = arith.constant 0 : i32
        %dma_wait3A_254 = arith.constant 0 : i32
        %dma_wait3A_255 = tpu.memref_slice %arg8[%dma_wait3A_251, %dma_wait3A_253, %dma_wait3A_254] : memref<4x128x128xf32, #tpu.memory_space<vmem>> -> memref<1x128x128xf32, #tpu.memory_space<vmem>>
        %dma_wait3A_256 = tpu.memref_squeeze %dma_wait3A_255 : memref<1x128x128xf32, #tpu.memory_space<vmem>> -> memref<128x128xf32, #tpu.memory_space<vmem>>
        %dma_wait3A_257 = arith.constant 0 : i32
        %dma_wait3A_258 = tpu.memref_slice %arg7[%dma_wait3A_250, %dma_wait3A_257] : memref<4x128xi32, #tpu.memory_space<vmem>> -> memref<1x128xi32, #tpu.memory_space<vmem>>
        %dma_wait3A_259 = tpu.memref_squeeze %dma_wait3A_258 : memref<1x128xi32, #tpu.memory_space<vmem>> -> memref<128xi32, #tpu.memory_space<vmem>>
        %dma_wait3A_260 = arith.constant 0 : i32
        %dma_wait3A_261 = arith.constant 0 : i32
        %dma_wait3A_262 = tpu.memref_slice %arg2[%dma_wait3A_260, %dma_wait3A_261] : memref<100000x128xf32, #tpu.memory_space<hbm>> -> memref<100000x128xf32, #tpu.memory_space<hbm>>
        %dma_wait3A_263 = tpu.memref_slice %arg9[%dma_wait3A_252] : memref<4x!tpu.dma_semaphore, #tpu.memory_space<semaphore_mem>> -> memref<1x!tpu.dma_semaphore, #tpu.memory_space<semaphore_mem>>
        %dma_wait3A_264 = tpu.memref_squeeze %dma_wait3A_263 : memref<1x!tpu.dma_semaphore, #tpu.memory_space<semaphore_mem>> -> memref<!tpu.dma_semaphore, #tpu.memory_space<semaphore_mem>>
        tpu.wait_indirect_dma semaphore(%dma_wait3A_264 : memref<!tpu.dma_semaphore, #tpu.memory_space<semaphore_mem>>) src(%dma_wait3A_262 : memref<100000x128xf32, #tpu.memory_space<hbm>>) dst(%dma_wait3A_256 : memref<128x128xf32, #tpu.memory_space<vmem>>)
        %mul3A_265 = arith.constant 128 : i32
        %mul3A_266 = arith.muli %add3A_185, %mul3A_265 : i32
        %add3A_267 = arith.addi %mul3A_2, %mul3A_266 : i32
        %sub3A = arith.constant 128 : i32
        %sub3A_268 = arith.subi %add3A_267, %sub3A : i32
        %dma_start3A_269 = arith.constant 1 : i32
        %dma_start3A_270 = arith.constant 1 : i32
        %dma_start3A_271 = arith.constant 0 : i32
        %dma_start3A_272 = arith.constant 0 : i32
        %dma_start3A_273 = tpu.memref_slice %arg8[%dma_start3A_269, %dma_start3A_271, %dma_start3A_272] : memref<4x128x128xf32, #tpu.memory_space<vmem>> -> memref<1x128x128xf32, #tpu.memory_space<vmem>>
        %dma_start3A_274 = tpu.memref_squeeze %dma_start3A_273 : memref<1x128x128xf32, #tpu.memory_space<vmem>> -> memref<128x128xf32, #tpu.memory_space<vmem>>
        %dma_start3A_275 = arith.constant 0 : i32
        %dma_start3A_276 = tpu.memref_slice %arg5[%sub3A_268, %dma_start3A_275] : memref<524288x128xf32, #tpu.memory_space<hbm>> -> memref<128x128xf32, #tpu.memory_space<hbm>>
        %dma_start3A_277 = tpu.memref_slice %arg10[%dma_start3A_270] : memref<4x!tpu.dma_semaphore, #tpu.memory_space<semaphore_mem>> -> memref<1x!tpu.dma_semaphore, #tpu.memory_space<semaphore_mem>>
        %dma_start3A_278 = tpu.memref_squeeze %dma_start3A_277 : memref<1x!tpu.dma_semaphore, #tpu.memory_space<semaphore_mem>> -> memref<!tpu.dma_semaphore, #tpu.memory_space<semaphore_mem>>
        %dma_start3A_279 = arith.constant 0 : i32
        %dma_start3A_280 = tpu.memref_slice %arg5[%sub3A_268, %dma_start3A_279] : memref<524288x128xf32, #tpu.memory_space<hbm>> -> memref<128x128xf32, #tpu.memory_space<hbm>>
        %dma_start3A_281 = arith.constant 0 : i32
        %dma_start3A_282 = arith.constant 0 : i32
        %dma_start3A_283 = tpu.memref_slice %arg8[%dma_start3A_269, %dma_start3A_281, %dma_start3A_282] : memref<4x128x128xf32, #tpu.memory_space<vmem>> -> memref<1x128x128xf32, #tpu.memory_space<vmem>>
        %dma_start3A_284 = tpu.memref_squeeze %dma_start3A_283 : memref<1x128x128xf32, #tpu.memory_space<vmem>> -> memref<128x128xf32, #tpu.memory_space<vmem>>
        tpu.enqueue_dma source(%dma_start3A_284 : memref<128x128xf32, #tpu.memory_space<vmem>>) target(%dma_start3A_280 : memref<128x128xf32, #tpu.memory_space<hbm>>) target_semaphore(%dma_start3A_278 : memref<!tpu.dma_semaphore, #tpu.memory_space<semaphore_mem>>)
      } else {
      }
      %add3A_217 = arith.constant 3 : i32
      %add3A_218 = arith.addi %add3A_121, %add3A_217 : i32
      %ge3A_219 = arith.constant 4 : i32
      %ge3A_220 = arith.cmpi sge, %add3A_218, %ge3A_219 : i32
      %convert_element_type3A_221 = arith.extui %ge3A_220 : i1 to i32
      %cond3A_222 = arith.constant 0 : i32
      %cond3A_223 = arith.cmpi ne, %convert_element_type3A_221, %cond3A_222 : i32
      scf.if %cond3A_223 {
        %dma_wait3A_250 = arith.constant 3 : i32
        %dma_wait3A_251 = arith.constant 3 : i32
        %dma_wait3A_252 = arith.constant 0 : i32
        %dma_wait3A_253 = arith.constant 0 : i32
        %dma_wait3A_254 = tpu.memref_slice %arg8[%dma_wait3A_250, %dma_wait3A_252, %dma_wait3A_253] : memref<4x128x128xf32, #tpu.memory_space<vmem>> -> memref<1x128x128xf32, #tpu.memory_space<vmem>>
        %dma_wait3A_255 = tpu.memref_squeeze %dma_wait3A_254 : memref<1x128x128xf32, #tpu.memory_space<vmem>> -> memref<128x128xf32, #tpu.memory_space<vmem>>
        %dma_wait3A_256 = arith.constant 0 : i32
        %dma_wait3A_257 = arith.constant 0 : i32
        %dma_wait3A_258 = tpu.memref_slice %arg5[%dma_wait3A_256, %dma_wait3A_257] : memref<524288x128xf32, #tpu.memory_space<hbm>> -> memref<128x128xf32, #tpu.memory_space<hbm>>
        %dma_wait3A_259 = tpu.memref_slice %arg10[%dma_wait3A_251] : memref<4x!tpu.dma_semaphore, #tpu.memory_space<semaphore_mem>> -> memref<1x!tpu.dma_semaphore, #tpu.memory_space<semaphore_mem>>
        %dma_wait3A_260 = tpu.memref_squeeze %dma_wait3A_259 : memref<1x!tpu.dma_semaphore, #tpu.memory_space<semaphore_mem>> -> memref<!tpu.dma_semaphore, #tpu.memory_space<semaphore_mem>>
        %dma_wait3A_261 = arith.constant 0 : i32
        %dma_wait3A_262 = arith.constant 0 : i32
        %dma_wait3A_263 = tpu.memref_slice %arg5[%dma_wait3A_261, %dma_wait3A_262] : memref<524288x128xf32, #tpu.memory_space<hbm>> -> memref<128x128xf32, #tpu.memory_space<hbm>>
        %dma_wait3A_264 = arith.constant 0 : i32
        %dma_wait3A_265 = arith.constant 0 : i32
        %dma_wait3A_266 = tpu.memref_slice %arg8[%dma_wait3A_250, %dma_wait3A_264, %dma_wait3A_265] : memref<4x128x128xf32, #tpu.memory_space<vmem>> -> memref<1x128x128xf32, #tpu.memory_space<vmem>>
        %dma_wait3A_267 = tpu.memref_squeeze %dma_wait3A_266 : memref<1x128x128xf32, #tpu.memory_space<vmem>> -> memref<128x128xf32, #tpu.memory_space<vmem>>
        tpu.wait_dma2 semaphore(%dma_wait3A_260 : memref<!tpu.dma_semaphore, #tpu.memory_space<semaphore_mem>>) src(%dma_wait3A_267 : memref<128x128xf32, #tpu.memory_space<vmem>>) dst(%dma_wait3A_263 : memref<128x128xf32, #tpu.memory_space<hbm>>)
      } else {
      }
      %add3A_224 = arith.constant 0 : i32
      %add3A_225 = arith.addi %add3A_224, %mul3A_2 : i32
      %mul3A_226 = arith.constant 128 : i32
      %mul3A_227 = arith.muli %add3A_218, %mul3A_226 : i32
      %add3A_228 = arith.addi %add3A_225, %mul3A_227 : i32
      %run_scoped3A_229 = arith.constant 3 : i32
      "tpu.region"() ({
        %run_scoped3A_250 = tpu.sem_alloc : memref<!tpu.dma_semaphore, #tpu.memory_space<semaphore_mem>>
        %dma_start3A_251 = arith.constant 0 : i32
        %dma_start3A_252 = tpu.memref_slice %arg7[%run_scoped3A_229, %dma_start3A_251] : memref<4x128xi32, #tpu.memory_space<vmem>> -> memref<1x128xi32, #tpu.memory_space<vmem>>
        %dma_start3A_253 = tpu.memref_squeeze %dma_start3A_252 : memref<1x128xi32, #tpu.memory_space<vmem>> -> memref<128xi32, #tpu.memory_space<vmem>>
        %dma_start3A_254 = tpu.memref_slice %arg3[%add3A_228] : memref<524288xi32, #tpu.memory_space<hbm>> -> memref<128xi32, #tpu.memory_space<hbm>>
        %dma_start3A_255 = arith.constant 0 : i32
        %dma_start3A_256 = tpu.memref_slice %arg7[%run_scoped3A_229, %dma_start3A_255] : memref<4x128xi32, #tpu.memory_space<vmem>> -> memref<1x128xi32, #tpu.memory_space<vmem>>
        %dma_start3A_257 = tpu.memref_squeeze %dma_start3A_256 : memref<1x128xi32, #tpu.memory_space<vmem>> -> memref<128xi32, #tpu.memory_space<vmem>>
        %dma_start3A_258 = tpu.memref_slice %arg3[%add3A_228] : memref<524288xi32, #tpu.memory_space<hbm>> -> memref<128xi32, #tpu.memory_space<hbm>>
        tpu.enqueue_dma source(%dma_start3A_258 : memref<128xi32, #tpu.memory_space<hbm>>) target(%dma_start3A_257 : memref<128xi32, #tpu.memory_space<vmem>>) target_semaphore(%run_scoped3A_250 : memref<!tpu.dma_semaphore, #tpu.memory_space<semaphore_mem>>)
        %dma_wait3A_259 = arith.constant 0 : i32
        %dma_wait3A_260 = tpu.memref_slice %arg7[%run_scoped3A_229, %dma_wait3A_259] : memref<4x128xi32, #tpu.memory_space<vmem>> -> memref<1x128xi32, #tpu.memory_space<vmem>>
        %dma_wait3A_261 = tpu.memref_squeeze %dma_wait3A_260 : memref<1x128xi32, #tpu.memory_space<vmem>> -> memref<128xi32, #tpu.memory_space<vmem>>
        %dma_wait3A_262 = tpu.memref_slice %arg3[%add3A_228] : memref<524288xi32, #tpu.memory_space<hbm>> -> memref<128xi32, #tpu.memory_space<hbm>>
        %dma_wait3A_263 = arith.constant 0 : i32
        %dma_wait3A_264 = tpu.memref_slice %arg7[%run_scoped3A_229, %dma_wait3A_263] : memref<4x128xi32, #tpu.memory_space<vmem>> -> memref<1x128xi32, #tpu.memory_space<vmem>>
        %dma_wait3A_265 = tpu.memref_squeeze %dma_wait3A_264 : memref<1x128xi32, #tpu.memory_space<vmem>> -> memref<128xi32, #tpu.memory_space<vmem>>
        %dma_wait3A_266 = tpu.memref_slice %arg3[%add3A_228] : memref<524288xi32, #tpu.memory_space<hbm>> -> memref<128xi32, #tpu.memory_space<hbm>>
        tpu.wait_dma2 semaphore(%run_scoped3A_250 : memref<!tpu.dma_semaphore, #tpu.memory_space<semaphore_mem>>) src(%dma_wait3A_266 : memref<128xi32, #tpu.memory_space<hbm>>) dst(%dma_wait3A_265 : memref<128xi32, #tpu.memory_space<vmem>>)
        tpu.yield
      }) : () -> ()
      %dma_start3A_230 = arith.constant 3 : i32
      %dma_start3A_231 = arith.constant 3 : i32
      %dma_start3A_232 = arith.constant 3 : i32
      %dma_start3A_233 = arith.constant 0 : i32
      %dma_start3A_234 = arith.constant 0 : i32
      %dma_start3A_235 = tpu.memref_slice %arg8[%dma_start3A_231, %dma_start3A_233, %dma_start3A_234] : memref<4x128x128xf32, #tpu.memory_space<vmem>> -> memref<1x128x128xf32, #tpu.memory_space<vmem>>
      %dma_start3A_236 = tpu.memref_squeeze %dma_start3A_235 : memref<1x128x128xf32, #tpu.memory_space<vmem>> -> memref<128x128xf32, #tpu.memory_space<vmem>>
      %dma_start3A_237 = arith.constant 0 : i32
      %dma_start3A_238 = tpu.memref_slice %arg7[%dma_start3A_230, %dma_start3A_237] : memref<4x128xi32, #tpu.memory_space<vmem>> -> memref<1x128xi32, #tpu.memory_space<vmem>>
      %dma_start3A_239 = tpu.memref_squeeze %dma_start3A_238 : memref<1x128xi32, #tpu.memory_space<vmem>> -> memref<128xi32, #tpu.memory_space<vmem>>
      %dma_start3A_240 = arith.constant 0 : i32
      %dma_start3A_241 = arith.constant 0 : i32
      %dma_start3A_242 = tpu.memref_slice %arg2[%dma_start3A_240, %dma_start3A_241] : memref<100000x128xf32, #tpu.memory_space<hbm>> -> memref<100000x128xf32, #tpu.memory_space<hbm>>
      %dma_start3A_243 = tpu.memref_slice %arg9[%dma_start3A_232] : memref<4x!tpu.dma_semaphore, #tpu.memory_space<semaphore_mem>> -> memref<1x!tpu.dma_semaphore, #tpu.memory_space<semaphore_mem>>
      %dma_start3A_244 = tpu.memref_squeeze %dma_start3A_243 : memref<1x!tpu.dma_semaphore, #tpu.memory_space<semaphore_mem>> -> memref<!tpu.dma_semaphore, #tpu.memory_space<semaphore_mem>>
      tpu.enqueue_indirect_dma source(%dma_start3A_242 : memref<100000x128xf32, #tpu.memory_space<hbm>>) target(%dma_start3A_236 : memref<128x128xf32, #tpu.memory_space<vmem>>) offsets(%dma_start3A_239 : memref<128xi32, #tpu.memory_space<vmem>>) semaphore(%dma_start3A_244 : memref<!tpu.dma_semaphore, #tpu.memory_space<semaphore_mem>>)
      %ge3A_245 = arith.constant 1 : i32
      %ge3A_246 = arith.cmpi sge, %add3A_218, %ge3A_245 : i32
      %convert_element_type3A_247 = arith.extui %ge3A_246 : i1 to i32
      %cond3A_248 = arith.constant 0 : i32
      %cond3A_249 = arith.cmpi ne, %convert_element_type3A_247, %cond3A_248 : i32
      scf.if %cond3A_249 {
        %dma_wait3A_250 = arith.constant 2 : i32
        %dma_wait3A_251 = arith.constant 2 : i32
        %dma_wait3A_252 = arith.constant 2 : i32
        %dma_wait3A_253 = arith.constant 0 : i32
        %dma_wait3A_254 = arith.constant 0 : i32
        %dma_wait3A_255 = tpu.memref_slice %arg8[%dma_wait3A_251, %dma_wait3A_253, %dma_wait3A_254] : memref<4x128x128xf32, #tpu.memory_space<vmem>> -> memref<1x128x128xf32, #tpu.memory_space<vmem>>
        %dma_wait3A_256 = tpu.memref_squeeze %dma_wait3A_255 : memref<1x128x128xf32, #tpu.memory_space<vmem>> -> memref<128x128xf32, #tpu.memory_space<vmem>>
        %dma_wait3A_257 = arith.constant 0 : i32
        %dma_wait3A_258 = tpu.memref_slice %arg7[%dma_wait3A_250, %dma_wait3A_257] : memref<4x128xi32, #tpu.memory_space<vmem>> -> memref<1x128xi32, #tpu.memory_space<vmem>>
        %dma_wait3A_259 = tpu.memref_squeeze %dma_wait3A_258 : memref<1x128xi32, #tpu.memory_space<vmem>> -> memref<128xi32, #tpu.memory_space<vmem>>
        %dma_wait3A_260 = arith.constant 0 : i32
        %dma_wait3A_261 = arith.constant 0 : i32
        %dma_wait3A_262 = tpu.memref_slice %arg2[%dma_wait3A_260, %dma_wait3A_261] : memref<100000x128xf32, #tpu.memory_space<hbm>> -> memref<100000x128xf32, #tpu.memory_space<hbm>>
        %dma_wait3A_263 = tpu.memref_slice %arg9[%dma_wait3A_252] : memref<4x!tpu.dma_semaphore, #tpu.memory_space<semaphore_mem>> -> memref<1x!tpu.dma_semaphore, #tpu.memory_space<semaphore_mem>>
        %dma_wait3A_264 = tpu.memref_squeeze %dma_wait3A_263 : memref<1x!tpu.dma_semaphore, #tpu.memory_space<semaphore_mem>> -> memref<!tpu.dma_semaphore, #tpu.memory_space<semaphore_mem>>
        tpu.wait_indirect_dma semaphore(%dma_wait3A_264 : memref<!tpu.dma_semaphore, #tpu.memory_space<semaphore_mem>>) src(%dma_wait3A_262 : memref<100000x128xf32, #tpu.memory_space<hbm>>) dst(%dma_wait3A_256 : memref<128x128xf32, #tpu.memory_space<vmem>>)
        %mul3A_265 = arith.constant 128 : i32
        %mul3A_266 = arith.muli %add3A_218, %mul3A_265 : i32
        %add3A_267 = arith.addi %mul3A_2, %mul3A_266 : i32
        %sub3A = arith.constant 128 : i32
        %sub3A_268 = arith.subi %add3A_267, %sub3A : i32
        %dma_start3A_269 = arith.constant 2 : i32
        %dma_start3A_270 = arith.constant 2 : i32
        %dma_start3A_271 = arith.constant 0 : i32
        %dma_start3A_272 = arith.constant 0 : i32
        %dma_start3A_273 = tpu.memref_slice %arg8[%dma_start3A_269, %dma_start3A_271, %dma_start3A_272] : memref<4x128x128xf32, #tpu.memory_space<vmem>> -> memref<1x128x128xf32, #tpu.memory_space<vmem>>
        %dma_start3A_274 = tpu.memref_squeeze %dma_start3A_273 : memref<1x128x128xf32, #tpu.memory_space<vmem>> -> memref<128x128xf32, #tpu.memory_space<vmem>>
        %dma_start3A_275 = arith.constant 0 : i32
        %dma_start3A_276 = tpu.memref_slice %arg5[%sub3A_268, %dma_start3A_275] : memref<524288x128xf32, #tpu.memory_space<hbm>> -> memref<128x128xf32, #tpu.memory_space<hbm>>
        %dma_start3A_277 = tpu.memref_slice %arg10[%dma_start3A_270] : memref<4x!tpu.dma_semaphore, #tpu.memory_space<semaphore_mem>> -> memref<1x!tpu.dma_semaphore, #tpu.memory_space<semaphore_mem>>
        %dma_start3A_278 = tpu.memref_squeeze %dma_start3A_277 : memref<1x!tpu.dma_semaphore, #tpu.memory_space<semaphore_mem>> -> memref<!tpu.dma_semaphore, #tpu.memory_space<semaphore_mem>>
        %dma_start3A_279 = arith.constant 0 : i32
        %dma_start3A_280 = tpu.memref_slice %arg5[%sub3A_268, %dma_start3A_279] : memref<524288x128xf32, #tpu.memory_space<hbm>> -> memref<128x128xf32, #tpu.memory_space<hbm>>
        %dma_start3A_281 = arith.constant 0 : i32
        %dma_start3A_282 = arith.constant 0 : i32
        %dma_start3A_283 = tpu.memref_slice %arg8[%dma_start3A_269, %dma_start3A_281, %dma_start3A_282] : memref<4x128x128xf32, #tpu.memory_space<vmem>> -> memref<1x128x128xf32, #tpu.memory_space<vmem>>
        %dma_start3A_284 = tpu.memref_squeeze %dma_start3A_283 : memref<1x128x128xf32, #tpu.memory_space<vmem>> -> memref<128x128xf32, #tpu.memory_space<vmem>>
        tpu.enqueue_dma source(%dma_start3A_284 : memref<128x128xf32, #tpu.memory_space<vmem>>) target(%dma_start3A_280 : memref<128x128xf32, #tpu.memory_space<hbm>>) target_semaphore(%dma_start3A_278 : memref<!tpu.dma_semaphore, #tpu.memory_space<semaphore_mem>>)
      } else {
      }
    }
    %scan3A_6 = arith.constant 32 : i32
    %dma_wait3A = arith.constant 3 : i32
    %dma_wait3A_7 = arith.constant 3 : i32
    %dma_wait3A_8 = arith.constant 3 : i32
    %dma_wait3A_9 = arith.constant 0 : i32
    %dma_wait3A_10 = arith.constant 0 : i32
    %dma_wait3A_11 = tpu.memref_slice %arg8[%dma_wait3A_7, %dma_wait3A_9, %dma_wait3A_10] : memref<4x128x128xf32, #tpu.memory_space<vmem>> -> memref<1x128x128xf32, #tpu.memory_space<vmem>>
    %dma_wait3A_12 = tpu.memref_squeeze %dma_wait3A_11 : memref<1x128x128xf32, #tpu.memory_space<vmem>> -> memref<128x128xf32, #tpu.memory_space<vmem>>
    %dma_wait3A_13 = arith.constant 0 : i32
    %dma_wait3A_14 = tpu.memref_slice %arg7[%dma_wait3A, %dma_wait3A_13] : memref<4x128xi32, #tpu.memory_space<vmem>> -> memref<1x128xi32, #tpu.memory_space<vmem>>
    %dma_wait3A_15 = tpu.memref_squeeze %dma_wait3A_14 : memref<1x128xi32, #tpu.memory_space<vmem>> -> memref<128xi32, #tpu.memory_space<vmem>>
    %dma_wait3A_16 = arith.constant 0 : i32
    %dma_wait3A_17 = arith.constant 0 : i32
    %dma_wait3A_18 = tpu.memref_slice %arg2[%dma_wait3A_16, %dma_wait3A_17] : memref<100000x128xf32, #tpu.memory_space<hbm>> -> memref<100000x128xf32, #tpu.memory_space<hbm>>
    %dma_wait3A_19 = tpu.memref_slice %arg9[%dma_wait3A_8] : memref<4x!tpu.dma_semaphore, #tpu.memory_space<semaphore_mem>> -> memref<1x!tpu.dma_semaphore, #tpu.memory_space<semaphore_mem>>
    %dma_wait3A_20 = tpu.memref_squeeze %dma_wait3A_19 : memref<1x!tpu.dma_semaphore, #tpu.memory_space<semaphore_mem>> -> memref<!tpu.dma_semaphore, #tpu.memory_space<semaphore_mem>>
    tpu.wait_indirect_dma semaphore(%dma_wait3A_20 : memref<!tpu.dma_semaphore, #tpu.memory_space<semaphore_mem>>) src(%dma_wait3A_18 : memref<100000x128xf32, #tpu.memory_space<hbm>>) dst(%dma_wait3A_12 : memref<128x128xf32, #tpu.memory_space<vmem>>)
    %add3A_21 = arith.constant 16256 : i32
    %add3A_22 = arith.addi %mul3A_2, %add3A_21 : i32
    %dma_start3A = arith.constant 3 : i32
    %dma_start3A_23 = arith.constant 3 : i32
    %dma_start3A_24 = arith.constant 0 : i32
    %dma_start3A_25 = arith.constant 0 : i32
    %dma_start3A_26 = tpu.memref_slice %arg8[%dma_start3A, %dma_start3A_24, %dma_start3A_25] : memref<4x128x128xf32, #tpu.memory_space<vmem>> -> memref<1x128x128xf32, #tpu.memory_space<vmem>>
    %dma_start3A_27 = tpu.memref_squeeze %dma_start3A_26 : memref<1x128x128xf32, #tpu.memory_space<vmem>> -> memref<128x128xf32, #tpu.memory_space<vmem>>
    %dma_start3A_28 = arith.constant 0 : i32
    %dma_start3A_29 = tpu.memref_slice %arg5[%add3A_22, %dma_start3A_28] : memref<524288x128xf32, #tpu.memory_space<hbm>> -> memref<128x128xf32, #tpu.memory_space<hbm>>
    %dma_start3A_30 = tpu.memref_slice %arg10[%dma_start3A_23] : memref<4x!tpu.dma_semaphore, #tpu.memory_space<semaphore_mem>> -> memref<1x!tpu.dma_semaphore, #tpu.memory_space<semaphore_mem>>
    %dma_start3A_31 = tpu.memref_squeeze %dma_start3A_30 : memref<1x!tpu.dma_semaphore, #tpu.memory_space<semaphore_mem>> -> memref<!tpu.dma_semaphore, #tpu.memory_space<semaphore_mem>>
    %dma_start3A_32 = arith.constant 0 : i32
    %dma_start3A_33 = tpu.memref_slice %arg5[%add3A_22, %dma_start3A_32] : memref<524288x128xf32, #tpu.memory_space<hbm>> -> memref<128x128xf32, #tpu.memory_space<hbm>>
    %dma_start3A_34 = arith.constant 0 : i32
    %dma_start3A_35 = arith.constant 0 : i32
    %dma_start3A_36 = tpu.memref_slice %arg8[%dma_start3A, %dma_start3A_34, %dma_start3A_35] : memref<4x128x128xf32, #tpu.memory_space<vmem>> -> memref<1x128x128xf32, #tpu.memory_space<vmem>>
    %dma_start3A_37 = tpu.memref_squeeze %dma_start3A_36 : memref<1x128x128xf32, #tpu.memory_space<vmem>> -> memref<128x128xf32, #tpu.memory_space<vmem>>
    tpu.enqueue_dma source(%dma_start3A_37 : memref<128x128xf32, #tpu.memory_space<vmem>>) target(%dma_start3A_33 : memref<128x128xf32, #tpu.memory_space<hbm>>) target_semaphore(%dma_start3A_31 : memref<!tpu.dma_semaphore, #tpu.memory_space<semaphore_mem>>)
    %dma_wait3A_38 = arith.constant 0 : i32
    %dma_wait3A_39 = arith.constant 0 : i32
    %dma_wait3A_40 = arith.constant 0 : i32
    %dma_wait3A_41 = arith.constant 0 : i32
    %dma_wait3A_42 = tpu.memref_slice %arg8[%dma_wait3A_38, %dma_wait3A_40, %dma_wait3A_41] : memref<4x128x128xf32, #tpu.memory_space<vmem>> -> memref<1x128x128xf32, #tpu.memory_space<vmem>>
    %dma_wait3A_43 = tpu.memref_squeeze %dma_wait3A_42 : memref<1x128x128xf32, #tpu.memory_space<vmem>> -> memref<128x128xf32, #tpu.memory_space<vmem>>
    %dma_wait3A_44 = arith.constant 0 : i32
    %dma_wait3A_45 = arith.constant 0 : i32
    %dma_wait3A_46 = tpu.memref_slice %arg5[%dma_wait3A_44, %dma_wait3A_45] : memref<524288x128xf32, #tpu.memory_space<hbm>> -> memref<128x128xf32, #tpu.memory_space<hbm>>
    %dma_wait3A_47 = tpu.memref_slice %arg10[%dma_wait3A_39] : memref<4x!tpu.dma_semaphore, #tpu.memory_space<semaphore_mem>> -> memref<1x!tpu.dma_semaphore, #tpu.memory_space<semaphore_mem>>
    %dma_wait3A_48 = tpu.memref_squeeze %dma_wait3A_47 : memref<1x!tpu.dma_semaphore, #tpu.memory_space<semaphore_mem>> -> memref<!tpu.dma_semaphore, #tpu.memory_space<semaphore_mem>>
    %dma_wait3A_49 = arith.constant 0 : i32
    %dma_wait3A_50 = arith.constant 0 : i32
    %dma_wait3A_51 = tpu.memref_slice %arg5[%dma_wait3A_49, %dma_wait3A_50] : memref<524288x128xf32, #tpu.memory_space<hbm>> -> memref<128x128xf32, #tpu.memory_space<hbm>>
    %dma_wait3A_52 = arith.constant 0 : i32
    %dma_wait3A_53 = arith.constant 0 : i32
    %dma_wait3A_54 = tpu.memref_slice %arg8[%dma_wait3A_38, %dma_wait3A_52, %dma_wait3A_53] : memref<4x128x128xf32, #tpu.memory_space<vmem>> -> memref<1x128x128xf32, #tpu.memory_space<vmem>>
    %dma_wait3A_55 = tpu.memref_squeeze %dma_wait3A_54 : memref<1x128x128xf32, #tpu.memory_space<vmem>> -> memref<128x128xf32, #tpu.memory_space<vmem>>
    tpu.wait_dma2 semaphore(%dma_wait3A_48 : memref<!tpu.dma_semaphore, #tpu.memory_space<semaphore_mem>>) src(%dma_wait3A_55 : memref<128x128xf32, #tpu.memory_space<vmem>>) dst(%dma_wait3A_51 : memref<128x128xf32, #tpu.memory_space<hbm>>)
    %dma_wait3A_56 = arith.constant 1 : i32
    %dma_wait3A_57 = arith.constant 1 : i32
    %dma_wait3A_58 = arith.constant 0 : i32
    %dma_wait3A_59 = arith.constant 0 : i32
    %dma_wait3A_60 = tpu.memref_slice %arg8[%dma_wait3A_56, %dma_wait3A_58, %dma_wait3A_59] : memref<4x128x128xf32, #tpu.memory_space<vmem>> -> memref<1x128x128xf32, #tpu.memory_space<vmem>>
    %dma_wait3A_61 = tpu.memref_squeeze %dma_wait3A_60 : memref<1x128x128xf32, #tpu.memory_space<vmem>> -> memref<128x128xf32, #tpu.memory_space<vmem>>
    %dma_wait3A_62 = arith.constant 0 : i32
    %dma_wait3A_63 = arith.constant 0 : i32
    %dma_wait3A_64 = tpu.memref_slice %arg5[%dma_wait3A_62, %dma_wait3A_63] : memref<524288x128xf32, #tpu.memory_space<hbm>> -> memref<128x128xf32, #tpu.memory_space<hbm>>
    %dma_wait3A_65 = tpu.memref_slice %arg10[%dma_wait3A_57] : memref<4x!tpu.dma_semaphore, #tpu.memory_space<semaphore_mem>> -> memref<1x!tpu.dma_semaphore, #tpu.memory_space<semaphore_mem>>
    %dma_wait3A_66 = tpu.memref_squeeze %dma_wait3A_65 : memref<1x!tpu.dma_semaphore, #tpu.memory_space<semaphore_mem>> -> memref<!tpu.dma_semaphore, #tpu.memory_space<semaphore_mem>>
    %dma_wait3A_67 = arith.constant 0 : i32
    %dma_wait3A_68 = arith.constant 0 : i32
    %dma_wait3A_69 = tpu.memref_slice %arg5[%dma_wait3A_67, %dma_wait3A_68] : memref<524288x128xf32, #tpu.memory_space<hbm>> -> memref<128x128xf32, #tpu.memory_space<hbm>>
    %dma_wait3A_70 = arith.constant 0 : i32
    %dma_wait3A_71 = arith.constant 0 : i32
    %dma_wait3A_72 = tpu.memref_slice %arg8[%dma_wait3A_56, %dma_wait3A_70, %dma_wait3A_71] : memref<4x128x128xf32, #tpu.memory_space<vmem>> -> memref<1x128x128xf32, #tpu.memory_space<vmem>>
    %dma_wait3A_73 = tpu.memref_squeeze %dma_wait3A_72 : memref<1x128x128xf32, #tpu.memory_space<vmem>> -> memref<128x128xf32, #tpu.memory_space<vmem>>
    tpu.wait_dma2 semaphore(%dma_wait3A_66 : memref<!tpu.dma_semaphore, #tpu.memory_space<semaphore_mem>>) src(%dma_wait3A_73 : memref<128x128xf32, #tpu.memory_space<vmem>>) dst(%dma_wait3A_69 : memref<128x128xf32, #tpu.memory_space<hbm>>)
    %dma_wait3A_74 = arith.constant 2 : i32
    %dma_wait3A_75 = arith.constant 2 : i32
    %dma_wait3A_76 = arith.constant 0 : i32
    %dma_wait3A_77 = arith.constant 0 : i32
    %dma_wait3A_78 = tpu.memref_slice %arg8[%dma_wait3A_74, %dma_wait3A_76, %dma_wait3A_77] : memref<4x128x128xf32, #tpu.memory_space<vmem>> -> memref<1x128x128xf32, #tpu.memory_space<vmem>>
    %dma_wait3A_79 = tpu.memref_squeeze %dma_wait3A_78 : memref<1x128x128xf32, #tpu.memory_space<vmem>> -> memref<128x128xf32, #tpu.memory_space<vmem>>
    %dma_wait3A_80 = arith.constant 0 : i32
    %dma_wait3A_81 = arith.constant 0 : i32
    %dma_wait3A_82 = tpu.memref_slice %arg5[%dma_wait3A_80, %dma_wait3A_81] : memref<524288x128xf32, #tpu.memory_space<hbm>> -> memref<128x128xf32, #tpu.memory_space<hbm>>
    %dma_wait3A_83 = tpu.memref_slice %arg10[%dma_wait3A_75] : memref<4x!tpu.dma_semaphore, #tpu.memory_space<semaphore_mem>> -> memref<1x!tpu.dma_semaphore, #tpu.memory_space<semaphore_mem>>
    %dma_wait3A_84 = tpu.memref_squeeze %dma_wait3A_83 : memref<1x!tpu.dma_semaphore, #tpu.memory_space<semaphore_mem>> -> memref<!tpu.dma_semaphore, #tpu.memory_space<semaphore_mem>>
    %dma_wait3A_85 = arith.constant 0 : i32
    %dma_wait3A_86 = arith.constant 0 : i32
    %dma_wait3A_87 = tpu.memref_slice %arg5[%dma_wait3A_85, %dma_wait3A_86] : memref<524288x128xf32, #tpu.memory_space<hbm>> -> memref<128x128xf32, #tpu.memory_space<hbm>>
    %dma_wait3A_88 = arith.constant 0 : i32
    %dma_wait3A_89 = arith.constant 0 : i32
    %dma_wait3A_90 = tpu.memref_slice %arg8[%dma_wait3A_74, %dma_wait3A_88, %dma_wait3A_89] : memref<4x128x128xf32, #tpu.memory_space<vmem>> -> memref<1x128x128xf32, #tpu.memory_space<vmem>>
    %dma_wait3A_91 = tpu.memref_squeeze %dma_wait3A_90 : memref<1x128x128xf32, #tpu.memory_space<vmem>> -> memref<128x128xf32, #tpu.memory_space<vmem>>
    tpu.wait_dma2 semaphore(%dma_wait3A_84 : memref<!tpu.dma_semaphore, #tpu.memory_space<semaphore_mem>>) src(%dma_wait3A_91 : memref<128x128xf32, #tpu.memory_space<vmem>>) dst(%dma_wait3A_87 : memref<128x128xf32, #tpu.memory_space<hbm>>)
    %dma_wait3A_92 = arith.constant 3 : i32
    %dma_wait3A_93 = arith.constant 3 : i32
    %dma_wait3A_94 = arith.constant 0 : i32
    %dma_wait3A_95 = arith.constant 0 : i32
    %dma_wait3A_96 = tpu.memref_slice %arg8[%dma_wait3A_92, %dma_wait3A_94, %dma_wait3A_95] : memref<4x128x128xf32, #tpu.memory_space<vmem>> -> memref<1x128x128xf32, #tpu.memory_space<vmem>>
    %dma_wait3A_97 = tpu.memref_squeeze %dma_wait3A_96 : memref<1x128x128xf32, #tpu.memory_space<vmem>> -> memref<128x128xf32, #tpu.memory_space<vmem>>
    %dma_wait3A_98 = arith.constant 0 : i32
    %dma_wait3A_99 = arith.constant 0 : i32
    %dma_wait3A_100 = tpu.memref_slice %arg5[%dma_wait3A_98, %dma_wait3A_99] : memref<524288x128xf32, #tpu.memory_space<hbm>> -> memref<128x128xf32, #tpu.memory_space<hbm>>
    %dma_wait3A_101 = tpu.memref_slice %arg10[%dma_wait3A_93] : memref<4x!tpu.dma_semaphore, #tpu.memory_space<semaphore_mem>> -> memref<1x!tpu.dma_semaphore, #tpu.memory_space<semaphore_mem>>
    %dma_wait3A_102 = tpu.memref_squeeze %dma_wait3A_101 : memref<1x!tpu.dma_semaphore, #tpu.memory_space<semaphore_mem>> -> memref<!tpu.dma_semaphore, #tpu.memory_space<semaphore_mem>>
    %dma_wait3A_103 = arith.constant 0 : i32
    %dma_wait3A_104 = arith.constant 0 : i32
    %dma_wait3A_105 = tpu.memref_slice %arg5[%dma_wait3A_103, %dma_wait3A_104] : memref<524288x128xf32, #tpu.memory_space<hbm>> -> memref<128x128xf32, #tpu.memory_space<hbm>>
    %dma_wait3A_106 = arith.constant 0 : i32
    %dma_wait3A_107 = arith.constant 0 : i32
    %dma_wait3A_108 = tpu.memref_slice %arg8[%dma_wait3A_92, %dma_wait3A_106, %dma_wait3A_107] : memref<4x128x128xf32, #tpu.memory_space<vmem>> -> memref<1x128x128xf32, #tpu.memory_space<vmem>>
    %dma_wait3A_109 = tpu.memref_squeeze %dma_wait3A_108 : memref<1x128x128xf32, #tpu.memory_space<vmem>> -> memref<128x128xf32, #tpu.memory_space<vmem>>
    tpu.wait_dma2 semaphore(%dma_wait3A_102 : memref<!tpu.dma_semaphore, #tpu.memory_space<semaphore_mem>>) src(%dma_wait3A_109 : memref<128x128xf32, #tpu.memory_space<vmem>>) dst(%dma_wait3A_105 : memref<128x128xf32, #tpu.memory_space<hbm>>)
    %mul3A_110 = arith.constant 1088 : i32
    %mul3A_111 = arith.muli %add3A, %mul3A_110 : i32
    %scan3A_112 = arith.constant 0 : i32
    %scan3A_113 = arith.constant 17 : i32
    %scan3A_114 = arith.addi %scan3A_112, %scan3A_113 : i32
    %scan3A_115 = arith.constant 1 : i32
    scf.for %scan3A_117 = %scan3A_112 to %scan3A_114 step %scan3A_115  : i32 {
      %mul3A_118 = arith.constant 1 : i32
      %mul3A_119 = arith.muli %scan3A_117, %mul3A_118 : i32
      %add3A_120 = arith.constant 0 : i32
      %add3A_121 = arith.addi %add3A_120, %mul3A_119 : i32
      %mul3A_122 = arith.constant 64 : i32
      %mul3A_123 = arith.muli %add3A_121, %mul3A_122 : i32
      %add3A_124 = arith.addi %mul3A_111, %mul3A_123 : i32
      "tpu.region"() ({
        %run_scoped3A = tpu.sem_alloc : memref<!tpu.dma_semaphore, #tpu.memory_space<semaphore_mem>>
        %dma_start3A_131 = tpu.memref_slice %arg4[%add3A_124] : memref<34816xi32, #tpu.memory_space<hbm>> -> memref<64xi32, #tpu.memory_space<hbm>>
        %dma_start3A_132 = tpu.memref_slice %arg4[%add3A_124] : memref<34816xi32, #tpu.memory_space<hbm>> -> memref<64xi32, #tpu.memory_space<hbm>>
        tpu.enqueue_dma source(%dma_start3A_132 : memref<64xi32, #tpu.memory_space<hbm>>) target(%arg11 : memref<64xi32, #tpu.memory_space<vmem>>) target_semaphore(%run_scoped3A : memref<!tpu.dma_semaphore, #tpu.memory_space<semaphore_mem>>)
        %dma_wait3A_133 = tpu.memref_slice %arg4[%add3A_124] : memref<34816xi32, #tpu.memory_space<hbm>> -> memref<64xi32, #tpu.memory_space<hbm>>
        %dma_wait3A_134 = tpu.memref_slice %arg4[%add3A_124] : memref<34816xi32, #tpu.memory_space<hbm>> -> memref<64xi32, #tpu.memory_space<hbm>>
        tpu.wait_dma2 semaphore(%run_scoped3A : memref<!tpu.dma_semaphore, #tpu.memory_space<semaphore_mem>>) src(%dma_wait3A_134 : memref<64xi32, #tpu.memory_space<hbm>>) dst(%arg11 : memref<64xi32, #tpu.memory_space<vmem>>)
        tpu.yield
      }) : () -> ()
      %dma_start3A_125 = arith.constant 0 : i32
      %dma_start3A_126 = arith.constant 0 : i32
      %dma_start3A_127 = tpu.memref_slice %arg2[%dma_start3A_125, %dma_start3A_126] : memref<100000x128xf32, #tpu.memory_space<hbm>> -> memref<100000x128xf32, #tpu.memory_space<hbm>>
      tpu.enqueue_indirect_dma source(%dma_start3A_127 : memref<100000x128xf32, #tpu.memory_space<hbm>>) target(%arg12 : memref<64x128xf32, #tpu.memory_space<vmem>>) offsets(%arg11 : memref<64xi32, #tpu.memory_space<vmem>>) semaphore(%arg13 : memref<!tpu.dma_semaphore, #tpu.memory_space<semaphore_mem>>)
      %dma_wait3A_128 = arith.constant 0 : i32
      %dma_wait3A_129 = arith.constant 0 : i32
      %dma_wait3A_130 = tpu.memref_slice %arg2[%dma_wait3A_128, %dma_wait3A_129] : memref<100000x128xf32, #tpu.memory_space<hbm>> -> memref<100000x128xf32, #tpu.memory_space<hbm>>
      tpu.wait_indirect_dma semaphore(%arg13 : memref<!tpu.dma_semaphore, #tpu.memory_space<semaphore_mem>>) src(%dma_wait3A_130 : memref<100000x128xf32, #tpu.memory_space<hbm>>) dst(%arg12 : memref<64x128xf32, #tpu.memory_space<vmem>>)
      "tpu.region"() ({
        %run_scoped3A = tpu.sem_alloc : memref<!tpu.dma_semaphore, #tpu.memory_space<semaphore_mem>>
        %dma_start3A_131 = arith.constant 0 : i32
        %dma_start3A_132 = tpu.memref_slice %arg6[%add3A_124, %dma_start3A_131] : memref<34816x128xf32, #tpu.memory_space<hbm>> -> memref<64x128xf32, #tpu.memory_space<hbm>>
        %dma_start3A_133 = arith.constant 0 : i32
        %dma_start3A_134 = tpu.memref_slice %arg6[%add3A_124, %dma_start3A_133] : memref<34816x128xf32, #tpu.memory_space<hbm>> -> memref<64x128xf32, #tpu.memory_space<hbm>>
        tpu.enqueue_dma source(%arg12 : memref<64x128xf32, #tpu.memory_space<vmem>>) target(%dma_start3A_134 : memref<64x128xf32, #tpu.memory_space<hbm>>) target_semaphore(%run_scoped3A : memref<!tpu.dma_semaphore, #tpu.memory_space<semaphore_mem>>)
        %dma_wait3A_135 = arith.constant 0 : i32
        %dma_wait3A_136 = tpu.memref_slice %arg6[%add3A_124, %dma_wait3A_135] : memref<34816x128xf32, #tpu.memory_space<hbm>> -> memref<64x128xf32, #tpu.memory_space<hbm>>
        %dma_wait3A_137 = arith.constant 0 : i32
        %dma_wait3A_138 = tpu.memref_slice %arg6[%add3A_124, %dma_wait3A_137] : memref<34816x128xf32, #tpu.memory_space<hbm>> -> memref<64x128xf32, #tpu.memory_space<hbm>>
        tpu.wait_dma2 semaphore(%run_scoped3A : memref<!tpu.dma_semaphore, #tpu.memory_space<semaphore_mem>>) src(%arg12 : memref<64x128xf32, #tpu.memory_space<vmem>>) dst(%dma_wait3A_138 : memref<64x128xf32, #tpu.memory_space<hbm>>)
        tpu.yield
      }) : () -> ()
    }
    %scan3A_116 = arith.constant 17 : i32
    return
  }
}

module attributes {stable_mosaic.version = 14 : i64} {
  func.func @body(%arg0: i32, %arg1: memref<16384x128xf32, #tpu.memory_space<vmem>>, %arg2: memref<1024x128xf32, #tpu.memory_space<vmem>>, %arg3: memref<64x128xf32, #tpu.memory_space<vmem>>, %arg4: memref<64x1024xf32, #tpu.memory_space<vmem>>, %arg5: memref<128x128xf32, #tpu.memory_space<vmem>>, %arg6: memref<128x128xf32, #tpu.memory_space<vmem>>, %arg7: memref<128x128xf32, #tpu.memory_space<vmem>>, %arg8: memref<128x128xf32, #tpu.memory_space<vmem>>, %arg9: memref<64x128xf32, #tpu.memory_space<vmem>>) attributes {dimension_semantics = [#tpu.dimension_semantics<arbitrary>], iteration_bounds = array<i64: 32>, scalar_prefetch = 0 : i64, scratch_operands = 0 : i64, tpu.core_type = #tpu.core_type<tc>, window_params = [{transform_indices = @transform_0, window_bounds = array<i64: 16384, 128>}, {transform_indices = @transform_1, window_bounds = array<i64: 1024, 128>}, {transform_indices = @transform_2, window_bounds = array<i64: 64, 128>}, {pipeline_mode = #tpu.pipeline_mode<synchronous>, transform_indices = @transform_3, window_bounds = array<i64: 64, 1024>}, {pipeline_mode = #tpu.pipeline_mode<synchronous>, transform_indices = @transform_4, window_bounds = array<i64: 128, 128>}, {pipeline_mode = #tpu.pipeline_mode<synchronous>, transform_indices = @transform_5, window_bounds = array<i64: 128, 128>}, {pipeline_mode = #tpu.pipeline_mode<synchronous>, transform_indices = @transform_6, window_bounds = array<i64: 128, 128>}, {pipeline_mode = #tpu.pipeline_mode<synchronous>, transform_indices = @transform_7, window_bounds = array<i64: 128, 128>}, {transform_indices = @transform_8, window_bounds = array<i64: 64, 128>}]} {
    %get3A = arith.constant 0 : index
    %get3A_0 = arith.constant 0 : index
    %get3A_1 = vector.load %arg1[%get3A, %get3A_0] : memref<16384x128xf32, #tpu.memory_space<vmem>>, vector<16384x128xf32>
    %reshape3A = vector.shape_cast %get3A_1 : vector<16384x128xf32> to vector<1024x16x128xf32>
    %reduce_sum3A = arith.constant dense<0.000000e+00> : vector<1024x128xf32>
    %reduce_sum3A_2 = vector.multi_reduction <add>, %reshape3A, %reduce_sum3A [1] : vector<1024x16x128xf32> to vector<1024x128xf32>
    %mul3A = arith.constant 6.250000e-02 : f32
    %mul3A_3 = vector.broadcast %mul3A : f32 to vector<1024x128xf32>
    %mul3A_4 = arith.mulf %reduce_sum3A_2, %mul3A_3 : vector<1024x128xf32>
    %get3A_5 = arith.constant 0 : index
    %get3A_6 = arith.constant 0 : index
    %get3A_7 = vector.load %arg2[%get3A_5, %get3A_6] : memref<1024x128xf32, #tpu.memory_space<vmem>>, vector<1024x128xf32>
    %get3A_8 = arith.constant 0 : index
    %get3A_9 = arith.constant 0 : index
    %get3A_10 = vector.load %arg5[%get3A_8, %get3A_9] : memref<128x128xf32, #tpu.memory_space<vmem>>, vector<128x128xf32>
    %dot_general3A = arith.constant dense<0.000000e+00> : vector<1024x128xf32>
    %dot_general3A_11 = tpu.matmul %get3A_7, %get3A_10, %dot_general3A {dimension_numbers = #tpu.dot_dimension_numbers<[1], [0], [0], [1], [0, 0, 1, 1], [], []>, transpose_lhs_hint = false} : vector<1024x128xf32>, vector<128x128xf32>, vector<1024x128xf32> -> vector<1024x128xf32>
    %get3A_12 = arith.constant 0 : index
    %get3A_13 = arith.constant 0 : index
    %get3A_14 = vector.load %arg6[%get3A_12, %get3A_13] : memref<128x128xf32, #tpu.memory_space<vmem>>, vector<128x128xf32>
    %dot_general3A_15 = arith.constant dense<0.000000e+00> : vector<1024x128xf32>
    %dot_general3A_16 = tpu.matmul %mul3A_4, %get3A_14, %dot_general3A_15 {dimension_numbers = #tpu.dot_dimension_numbers<[1], [0], [0], [1], [0, 0, 1, 1], [], []>, transpose_lhs_hint = false} : vector<1024x128xf32>, vector<128x128xf32>, vector<1024x128xf32> -> vector<1024x128xf32>
    %add3A = arith.addf %dot_general3A_11, %dot_general3A_16 : vector<1024x128xf32>
    %max3A = arith.constant 0.000000e+00 : f32
    %max3A_17 = vector.broadcast %max3A : f32 to vector<1024x128xf32>
    %max3A_18 = arith.maximumf %add3A, %max3A_17 : vector<1024x128xf32>
    %get3A_19 = arith.constant 0 : index
    %get3A_20 = arith.constant 0 : index
    %get3A_21 = vector.load %arg4[%get3A_19, %get3A_20] : memref<64x1024xf32, #tpu.memory_space<vmem>>, vector<64x1024xf32>
    %dot_general3A_22 = arith.constant dense<0.000000e+00> : vector<64x128xf32>
    %dot_general3A_23 = tpu.matmul %get3A_21, %max3A_18, %dot_general3A_22 {dimension_numbers = #tpu.dot_dimension_numbers<[1], [0], [0], [1], [0, 0, 1, 1], [], []>, transpose_lhs_hint = false} : vector<64x1024xf32>, vector<1024x128xf32>, vector<64x128xf32> -> vector<64x128xf32>
    %get3A_24 = arith.constant 0 : index
    %get3A_25 = arith.constant 0 : index
    %get3A_26 = vector.load %arg3[%get3A_24, %get3A_25] : memref<64x128xf32, #tpu.memory_space<vmem>>, vector<64x128xf32>
    %get3A_27 = arith.constant 0 : index
    %get3A_28 = arith.constant 0 : index
    %get3A_29 = vector.load %arg7[%get3A_27, %get3A_28] : memref<128x128xf32, #tpu.memory_space<vmem>>, vector<128x128xf32>
    %dot_general3A_30 = arith.constant dense<0.000000e+00> : vector<64x128xf32>
    %dot_general3A_31 = tpu.matmul %get3A_26, %get3A_29, %dot_general3A_30 {dimension_numbers = #tpu.dot_dimension_numbers<[1], [0], [0], [1], [0, 0, 1, 1], [], []>, transpose_lhs_hint = false} : vector<64x128xf32>, vector<128x128xf32>, vector<64x128xf32> -> vector<64x128xf32>
    %get3A_32 = arith.constant 0 : index
    %get3A_33 = arith.constant 0 : index
    %get3A_34 = vector.load %arg8[%get3A_32, %get3A_33] : memref<128x128xf32, #tpu.memory_space<vmem>>, vector<128x128xf32>
    %dot_general3A_35 = arith.constant dense<0.000000e+00> : vector<64x128xf32>
    %dot_general3A_36 = tpu.matmul %dot_general3A_23, %get3A_34, %dot_general3A_35 {dimension_numbers = #tpu.dot_dimension_numbers<[1], [0], [0], [1], [0, 0, 1, 1], [], []>, transpose_lhs_hint = false} : vector<64x128xf32>, vector<128x128xf32>, vector<64x128xf32> -> vector<64x128xf32>
    %add3A_37 = arith.addf %dot_general3A_31, %dot_general3A_36 : vector<64x128xf32>
    %max3A_38 = arith.constant 0.000000e+00 : f32
    %max3A_39 = vector.broadcast %max3A_38 : f32 to vector<64x128xf32>
    %max3A_40 = arith.maximumf %add3A_37, %max3A_39 : vector<64x128xf32>
    %swap3A = arith.constant 0 : index
    %swap3A_41 = arith.constant 0 : index
    %swap3A_42 = vector.load %arg9[%swap3A, %swap3A_41] : memref<64x128xf32, #tpu.memory_space<vmem>>, vector<64x128xf32>
    tpu.vector_store %arg9[%swap3A, %swap3A_41], %max3A_40 {strides = array<i32>} : memref<64x128xf32, #tpu.memory_space<vmem>>, vector<64x128xf32>,
    return
  }
  func.func @transform_0(%arg0: i32) -> (i32, i32) {
    %c0_i32 = arith.constant 0 : i32
    %c0_i32_0 = arith.constant 0 : i32
    return %arg0, %c0_i32 : i32, i32
  }
  func.func @transform_1(%arg0: i32) -> (i32, i32) {
    %add3A = arith.constant 0 : i32
    %add3A_0 = arith.addi %arg0, %add3A : i32
    %c0_i32 = arith.constant 0 : i32
    %c0_i32_1 = arith.constant 0 : i32
    return %add3A_0, %c0_i32 : i32, i32
  }
  func.func @transform_2(%arg0: i32) -> (i32, i32) {
    %add3A = arith.constant 512 : i32
    %add3A_0 = arith.addi %arg0, %add3A : i32
    %c0_i32 = arith.constant 0 : i32
    %c0_i32_1 = arith.constant 0 : i32
    return %add3A_0, %c0_i32 : i32, i32
  }
  func.func @transform_3(%arg0: i32) -> (i32, i32) {
    %c0_i32 = arith.constant 0 : i32
    %c0_i32_0 = arith.constant 0 : i32
    %c0_i32_1 = arith.constant 0 : i32
    return %c0_i32, %c0_i32_0 : i32, i32
  }
  func.func @transform_4(%arg0: i32) -> (i32, i32) {
    %c0_i32 = arith.constant 0 : i32
    %c0_i32_0 = arith.constant 0 : i32
    %c0_i32_1 = arith.constant 0 : i32
    return %c0_i32, %c0_i32_0 : i32, i32
  }
  func.func @transform_5(%arg0: i32) -> (i32, i32) {
    %c0_i32 = arith.constant 0 : i32
    %c0_i32_0 = arith.constant 0 : i32
    %c0_i32_1 = arith.constant 0 : i32
    return %c0_i32, %c0_i32_0 : i32, i32
  }
  func.func @transform_6(%arg0: i32) -> (i32, i32) {
    %c0_i32 = arith.constant 0 : i32
    %c0_i32_0 = arith.constant 0 : i32
    %c0_i32_1 = arith.constant 0 : i32
    return %c0_i32, %c0_i32_0 : i32, i32
  }
  func.func @transform_7(%arg0: i32) -> (i32, i32) {
    %c0_i32 = arith.constant 0 : i32
    %c0_i32_0 = arith.constant 0 : i32
    %c0_i32_1 = arith.constant 0 : i32
    return %c0_i32, %c0_i32_0 : i32, i32
  }
  func.func @transform_8(%arg0: i32) -> (i32, i32) {
    %c0_i32 = arith.constant 0 : i32
    %c0_i32_0 = arith.constant 0 : i32
    return %arg0, %c0_i32 : i32, i32
  }
}

</mosaic_0001>

<sc_bundles>
// kernel: kernel.4.cloned.1.call-start
scs
__scs_entry_jumppad:
0x0: {  	(pc) =	sbr.rel $0x88, $3  }
0x1: {  	(tag) =	ssettag $0x0;
	lr =	simm.s32 $0x1  }
0x2: {  	[smem:$0x3F99] =	sst lr;
	_ =	strace $0xD0000000  }
0x3: {  	_ = 	snop  }
0x4: {  	_ = 	snop  }
0x5: {  	_ = 	snop  }
0x6: {  	_ = 	snop  }
0x7: {  	_ = 	snop  }
__scs_overlays_trampoline_lowered:
0x8: {  	[smem:$0x3FA8] =	sst s0  }
0x9: {  	[smem:$0x3FA9] =	sst s1  }
0xa: {  	[smem:$0x3FAA] =	sst s2  }
0xb: {  	[smem:$0x3FAB] =	sst s3  }
0xc: {  	[smem:$0x3FAC] =	sst s4  }
0xd: {  	[smem:$0x3FAD] =	sst s5  }
0xe: {  	[smem:$0x3FAE] =	sst s6  }
0xf: {  	[smem:$0x3FAF] =	sst s7  }
0x10: {  	[smem:$0x3FB0] =	sst s8  }
0x11: {  	[smem:$0x3FB1] =	sst s9;
	s0 =	simm.s32 @!p0 $0x0  }
0x12: {  	s1 =	sld [smem:$0x3F97];
	s0 =	simm.s32 @p0 $0x1  }
0x13: {  	[smem:$0x3FB2] =	sst s0;
	s0 =	simm.s32 @!p1 $0x0  }
0x14: {  	s2 =	sld [smem:$0x3F96];
	s0 =	simm.s32 @p1 $0x1  }
0x15: {  	[smem:$0x3FB3] =	sst s0;
	s0 =	simm.s32 @!p2 $0x0  }
0x16: {  	s3 =	sld [smem:$0x3FDB];
	s0 =	simm.s32 @p2 $0x1  }
0x17: {  	s4 =	simm.s32 $0x1BF5;
	[smem:$0x3FB5] =	sst s0  }
0x18: {  	s0 =	sld [smem:$0x3F98];
	_ =	swait.ge [sflag:s4], $0x0  }
0x19: {  	s7 =	sld [smem:$0x3F99]  }
0x1a: {  	s8 =	sadd.s32 $0xFFFFE003, lr  }
0x1b: {  	s9 =	sadd.s32 $0xFFFFFEF7, lr;
	s5 =	simm.s32 $0xFFFFFFFF;
	p2 =	slt.u32 s8, $0xFFFFF086  }
0x1c: {  	p1 =	slt.u32 s9, $0xF7A;
	s5 =	simm.s32 @!p2 $0x0  }
0x1d: {  	s5 =	simm.s32 @p1 $0x1;
	p0 =	seq.s32 s7, s2  }
0x1e: {  	s7 =	smul.u32 @!p0 $0xF7A, s2;
	p2 =	seq.s32 @!p0 s5, $0x0  }
0x1f: {  	s9 =	smul.u32 $0xF7A, s1;
	s8 =	simm.s32 @!p0 $0x1BF5;
	p2 =	por !p2, p0  }
0x20: {  	[sflag:s8] =	ssyncset.s32 @!p0 $0xFFFFF086;
	s6 =	sadd.s32 @!p0 s3, s7;
	s7 =	simm.s32 @!p0 $0x108  }
0x21: {  	s3 =	sadd.s32 s3, s9;
	s6 =	sadd.s32 @!p0 $0x88, s6;
	s7 =	simm.s32 @p2 $0x1082  }
0x22: {  	[simem:s7], [sflag:s8] =	dma.local @!p0 [hbm:s6], $0xF7A  }
0x23: {  	s9 =	sor.u32 $0xD0000000, s2;
	s6 =	simm.s32 $0x108;
	_ =	swait.ge @!p0 [sflag:s8], $0x0  }
0x24: {  	s3 =	sadd.s32 $0x88, s3;
	s6 =	simm.s32 @!p1 $0x1082;
	[sflag:s4] =	ssyncset.s32 $0xFFFFF086  }
0x25: {  	[simem:s6], [sflag:s4] =	dma.local [hbm:s3], $0xF7A  }
0x26: {  	[smem:$0x3F99] =	sst s1;
	(tag) =	ssettag s2;
	_ =	strace s9  }
0x27: {  	s1 =	sld [smem:$0x3FA9]  }
0x28: {  	s2 =	sld [smem:$0x3FAA]  }
0x29: {  	s4 =	sld [smem:$0x3FAC]  }
0x2a: {  	p0 =	seq.s32 s5, $0x0;
	s5 =	sld [smem:$0x3FAD]  }
0x2b: {  	s6 =	sld [smem:$0x3FAE]  }
0x2c: {  	s7 =	sld [smem:$0x3FAF]  }
0x2d: {  	s3 =	simm.s32 $0x108;
	s8 =	sld [smem:$0x3FB0]  }
0x2e: {  	s3 =	simm.s32 @!p0 $0x1082;
	s9 =	sld [smem:$0x3FB1]  }
0x2f: {  	lr =	sadd.s32 s0, s3;
	s0 =	sld [smem:$0x3FA8]  }
0x30: {  	s3 =	sld [smem:$0x3FAB]  }
0x31: {  	[smem:$0x3FB4] =	sst s10  }
0x32: {  	s10 =	sld [smem:$0x3FB2];
	_ =	sdelay $0x3  }
0x33: {  	p0 =	seq.s32 s10, $0x1;
	s10 =	sld [smem:$0x3FB4];
	_ =	sdelay $0x3  }
0x34: {  	[smem:$0x3FB4] =	sst s10  }
0x35: {  	s10 =	sld [smem:$0x3FB3];
	_ =	sdelay $0x3  }
0x36: {  	p1 =	seq.s32 s10, $0x1;
	s10 =	sld [smem:$0x3FB4];
	_ =	sdelay $0x3  }
0x37: {  	[smem:$0x3FB4] =	sst s10  }
0x38: {  	s10 =	sld [smem:$0x3FB5]  }
0x39: {  	_ = 	snop;
	(pc) =	sbr.ind lr, $3  }
0x3a: {  	_ = 	snop  }
0x3b: {  	_ = 	snop  }
0x3c: {  	p2 =	seq.s32 s10, $0x1;
	s10 =	sld [smem:$0x3FB4]  }
0x3d: {  	_ =	shalt  }
0x3e: {  	_ =	shalt  }
0x3f: {  	_ =	shalt  }
0x40: {  	_ =	shalt  }
0x41: {  	_ =	shalt  }
0x42: {  	_ =	shalt  }
0x43: {  	_ =	shalt  }
0x44: {  	_ =	shalt  }
0x45: {  	_ =	shalt  }
0x46: {  	_ =	shalt  }
0x47: {  	_ =	shalt  }
0x48: {  	_ =	shalt  }
0x49: {  	_ =	shalt  }
0x4a: {  	_ =	shalt  }
0x4b: {  	_ =	shalt  }
0x4c: {  	_ =	shalt  }
0x4d: {  	_ =	shalt  }
0x4e: {  	_ =	shalt  }
0x4f: {  	_ =	shalt  }
0x50: {  	_ =	shalt  }
0x51: {  	_ =	shalt  }
0x52: {  	_ =	shalt  }
0x53: {  	_ =	shalt  }
0x54: {  	_ =	shalt  }
0x55: {  	_ =	shalt  }
0x56: {  	_ =	shalt  }
0x57: {  	_ =	shalt  }
0x58: {  	_ =	shalt  }
0x59: {  	_ =	shalt  }
0x5a: {  	_ =	shalt  }
0x5b: {  	_ =	shalt  }
0x5c: {  	_ =	shalt  }
0x5d: {  	_ =	shalt  }
0x5e: {  	_ =	shalt  }
0x5f: {  	_ =	shalt  }
0x60: {  	_ =	shalt  }
0x61: {  	_ =	shalt  }
0x62: {  	_ =	shalt  }
0x63: {  	_ =	shalt  }
0x64: {  	_ =	shalt  }
0x65: {  	_ =	shalt  }
0x66: {  	_ =	shalt  }
0x67: {  	_ =	shalt  }
0x68: {  	_ =	shalt  }
0x69: {  	_ =	shalt  }
0x6a: {  	_ =	shalt  }
0x6b: {  	_ =	shalt  }
0x6c: {  	_ =	shalt  }
0x6d: {  	_ =	shalt  }
0x6e: {  	_ =	shalt  }
0x6f: {  	_ =	shalt  }
0x70: {  	_ =	shalt  }
0x71: {  	_ =	shalt  }
0x72: {  	_ =	shalt  }
0x73: {  	_ =	shalt  }
0x74: {  	_ =	shalt  }
0x75: {  	_ =	shalt  }
0x76: {  	_ =	shalt  }
0x77: {  	_ =	shalt  }
0x78: {  	_ =	shalt  }
0x79: {  	_ =	shalt  }
0x7a: {  	_ =	shalt  }
0x7b: {  	_ =	shalt  }
0x7c: {  	_ =	shalt  }
0x7d: {  	_ =	shalt  }
0x7e: {  	_ =	shalt  }
0x7f: {  	_ =	shalt  }
0x80: {  	_ =	shalt  }
0x81: {  	_ =	shalt  }
0x82: {  	_ =	shalt  }
0x83: {  	_ =	shalt  }
0x84: {  	_ =	shalt  }
0x85: {  	_ =	shalt  }
0x86: {  	_ =	shalt  }
0x87: {  	_ =	shalt  }
.Lfunc_end0:
.L_simem_size_0:
called_computation_lowered:
.L_overlay_start_0:
0x88: {  	s2 =	sld [smem:$0x3FD9]  }
0x89: {  	s3 =	sld [smem:$0x3FFE];
	_ =	sdelay $0x1  }
0x8a: {  	s1 =	srdreg.scid  }
0x8b: {  	s0 =	sand.u32 $0x1, s1  }
0x8c: {  	s17 =	sshll.u32 s0, $0xA;
	s2 =	sadd.s32 s3, s2  }
0x8d: {  	s2 =	sadd.s32 s2, s17  }
0x8e: {  	[smem:$0x3FC0] =	sst s2  }
0x8f: {  	_ = 	snop  }
0x90: {  	s2 =	sld [smem:$0x3FC6]  }
0x91: {  	s18 =	sld [smem:$0x3FD0];
	(tm) =	ssettm $0x1  }
0x92: {  	s4 =	sld [smem:$0x3FFB];
	_ =	sdelay $0x3  }
0x93: {  	_ =	strace s4  }
0x94: {  	s4 =	sld [smem:$0x3FFC];
	_ =	sdelay $0x3  }
0x95: {  	_ =	strace s4  }
0x96: {  	s4 =	sld [smem:$0x3FFD];
	_ =	sdelay $0x3  }
0x97: {  	_ =	strace s4  }
0x98: {  	_ =	strace $0x8FFFFFFF  }
0x99: {  	s19 =	sld [smem:$0x3FDB];
	_ =	sdelay $0x1  }
0x9a: {  	s5 =	simm.s32 $_scs_section_size  }
0x9b: {  	s6 =	simm.s32 $_size__tile_overlayer_lowered;
	s7 =	simm.s32 $_tile_overlayer_lowered  }
0x9c: {  	s22 =	simm.s32 $0x1BFF;
	s21 =	sshll.u32 s7, $0x1;
	s4 =	sadd.s32 s5, s19  }
0x9d: {  	s8 =	simm.s32 $0x0;
	s20 =	sshll.u32 s6, $0x1;
	s6 =	sadd.s32 s21, s4  }
0x9e: {  	[timem:s8], [sflag:s22] =	dma.local [hbm:s6], s20  }
0x9f: {  	_ =	swait.ge [sflag:s22], s20  }
0xa0: {  	s5 =	ssub.s32 $0x0, s20;
	[sflag:s22] =	ssyncset.done $0x0  }
0xa1: {  	[sflag:s22] =	ssyncadd.s32 s5;
	_ =	sdelay $0x1  }
0xa2: {  	s23 =	simm.s32 $0x1B8B  }
0xa3: {  	_ =	swait.ge [sflag:s23], $0x1  }
0xa4: {  	[sflag:s23] =	ssyncset.done $0x0  }
0xa5: {  	s25 =	simm.s32 $0x1B8E;
	s24 =	sld [smem:$0x3FFE];
	[sflag:s23] =	ssyncadd.s32 $0xFFFFFFFF  }
0xa6: {  	s26 =	simm.s32 $execute0_lowered;
	[smem:$0x3FD2] =	sst s25  }
0xa7: {  	s6 =	sshll.u32 s26, $0x1;
	_ =	strace $0x80000046;
	[dreg:$0x1] =	wrdreg $0xFFFFFFFF  }
0xa8: {  	s28 =	simm.s32 $_size_execute0_lowered;
	s4 =	sadd.s32 s4, s6;
	[dreg:$0x0] =	wrdreg $0x0  }
0xa9: {  	s6 =	sshll.u32 s28, $0x1;
	[dreg:$0x2] =	wrdreg s4  }
0xaa: {  	[dreg:$0x3] =	wrdreg s6  }
0xab: {  	[dreg:$0x4] =	wrdreg $0xC0  }
0xac: {  	_ =	task [dreg:s8], $0x5FFFF  }
0xad: {  	[dreg:$0x1] =	wrdreg $0xFFFFFFFF  }
0xae: {  	[dreg:$0x0] =	wrdreg $0x60  }
0xaf: {  	[dreg:$0x2] =	wrdreg s2  }
0xb0: {  	[dreg:$0x3] =	wrdreg s24  }
0xb1: {  	[dreg:$0x4] =	wrdreg s18  }
0xb2: {  	[dreg:$0x5] =	wrdreg $0x9  }
0xb3: {  	_ =	task.clear_ibuf [dreg:s8], $0x6FFFF;
	_ =	strace $0x90000046  }
0xb4: {  	s29 =	simm.s32 $0x9;
	_ =	strace $0x80000048  }
0xb5: {  	_ =	swait.ge [sflag:s29], $0x1  }
0xb6: {  	[sflag:s29] =	ssyncadd.s32 $0xFFFFFFFF  }
0xb7: {  	_ =	strace $0x90000048  }
0xb8: {  	_ =	sfence  }
0xb9: {  	s30 =	sld [smem:$0x0];
	_ =	sdelay $0x2  }
0xba: {  	s31 =	sshll.u32 s1, $0xD;
	s1 =	sshrl.u32 s1, $0x2  }
0xbb: {  	s3 =	sand.u32 $0x4000, s31;
	s1 =	sadd.s32 s1, s30  }
0xbc: {  	s0 =	sor.u32 s3, s0;
	s1 =	sshll.u32 s1, $0x11  }
0xbd: {  	s0 =	sor.u32 s1, s0  }
0xbe: {  	s0 =	sadd.s32 $0x8F2B, s0  }
0xbf: {  	[sflag:s0] =	ssyncadd.remote.s32 $0x1  }
0xc0: {  	_ =	sfence.sel $0xFFFF  }
0xc1: {  	[dreg:$0x0] =	wrdreg $0xFFFFFFFF;
	(pc) =	sbr.abs _section_cstart, $3  }
0xc2: {  	[dreg:$0x1] =	wrdreg $0xFFFFFFFF  }
0xc3: {  	_ =	task.clear_ibuf [dreg:s8], $0x2FFFF;
	_ =	strace $0x9FFFFFFF  }
0xc4: {  	(tm) =	ssettm $0x7FFFFFFF  }
0xc5: {  	_ =	shalt  }
tec
execute0_lowered:
.L_overlay_start_1:
0x0: {  	(tag) =	ssettag $0x1  }
0x1: {  	s1 =	rddreg [dreg:$0x0]  }
0x2: {  	s0 =	rddreg [dreg:$0x1]  }
0x3: {  	s2 =	rddreg [dreg:$0x2];
	s3 =	simm.s32 $0x0;
	s13 =	stileid.u32  }
0x4: {  	s4 =	srdreg.scid;
	s30 =	simm.s32 $0x10200;
	s31 =	simm.s32 $0x40  }
0x5: {  	[smem:$0x7FF] =	sst s3;
	s5 =	smul.u32 $0x8800, s13;
	s6 =	sand.u32 $0x1, s4  }
0x6: {  	s7 =	sadd.s32 $0x1600, s0;
	s4 =	sadd.s32 $0x99600, s0;
	s25 =	sshll.u32 s13, $0x13  }
0x7: {  	s26 =	sshll.u32 s13, $0x16;
	s28 =	sshll.u32 s13, $0xF;
	s22 =	smul.u32 $0x880, s13  }
0x8: {  	s13 =	simm.s32 $0xA;
	_ =	strace $0x80000047;
	s8 =	ssub.s32 $0x2, s6  }
0x9: {  	s9 =	sshll.u32 s6, $0x12;
	s10 =	sshll.u32 s6, $0x15;
	s11 =	sshll.u32 s6, $0xE  }
0xa: {  	s0 =	sadd.s32 s5, s0;
	s24 =	sshrl.u32 s8, $0x1;
	s10 =	sor.u32 s10, s26  }
0xb: {  	s11 =	sor.u32 s11, s28;
	s5 =	ssub.s32 s8, s24;
	s8 =	sor.u32 s9, s25  }
0xc: {  	s12 =	sor.u32 $0x8000, s10;
	s9 =	sor.u32 $0x180, s11;
	s15 =	sor.u32 $0x4000, s10  }
0xd: {  	s16 =	sor.u32 $0x100, s11;
	s20 =	sor.u32 $0x80, s11;
	s24 =	smul.u32 $0x440, s6  }
0xe: {  	s23 =	sshrl.u32 s10, $0x3;
	s25 =	smul.u32 $0x4400, s6;
	s26 =	sadd.s32 $0xFFFFC000, s10  }
0xf: {  	s28 =	sshrl.u32 s11, $0x3;
	s8 =	sadd.s32 s8, s4;
	s29 =	sshrl.u32 s12, $0x3  }
0x10: {  	s5 =	smax.u32 s5, $0x1;
	s14 =	sshrl.u32 s9, $0x3;
	s17 =	sshrl.u32 s15, $0x3  }
0x11: {  	s18 =	sshrl.u32 s16, $0x3;
	s21 =	sshrl.u32 s20, $0x3;
	s9 =	sadd.s32 s23, s4  }
0x12: {  	[dreg:$0xd] =	wrdreg s26;
	s6 =	sadd.s32 s28, s7;
	s15 =	simm.s32 $0x200  }
0x13: {  	s16 =	simm.s32 $0x4200;
	s20 =	simm.s32 $0x2;
	[dreg:$0x9] =	wrdreg s5  }
0x14: {  	s23 =	simm.s32 $0x3;
	s8 =	sadd.s32 $0x3F800, s8;
	[dreg:$0xc] =	wrdreg s9  }
0x15: {  	s12 =	sadd.s32 s29, s4;
	s5 =	sadd.s32 s14, s7;
	[dreg:$0x7] =	wrdreg s6  }
0x16: {  	s19 =	sadd.s32 s18, s7;
	s0 =	sadd.s32 s25, s0;
	[dreg:$0x8] =	wrdreg s8  }
0x17: {  	s14 =	simm.s32 $0x80;
	s18 =	simm.s32 $0x100;
	[dreg:$0xa] =	wrdreg s12  }
0x18: {  	s6 =	simm.s32 $0x0;
	[dreg:$0x4] =	wrdreg s5;
	s5 =	sadd.s32 s17, s4  }
0x19: {  	[dreg:$0x5] =	wrdreg s19;
	s8 =	sadd.s32 s24, s22;
	s0 =	sadd.s32 $0x11600, s0  }
0x1a: {  	s17 =	simm.s32 $0x1;
	s19 =	simm.s32 $0x8200;
	s22 =	simm.s32 $0xC200  }
0x1b: {  	[dreg:$0xb] =	wrdreg s5;
	s5 =	sadd.s32 s21, s7;
	s29 =	sshrl.u32 s8, $0x3  }
0x1c: {  	[dreg:$0xe] =	wrdreg s0;
	s21 =	simm.s32 $0x180;
	s0 =	simm.s32 $0x10280  }
0x1d: {  	[dreg:$0x6] =	wrdreg s5;
	s12 =	sadd.s32 s29, s2;
	s2 =	simm.s32 $0x9  }
.LBB2_1:
0x1e: {  	p0 =	por $0x1, $0x1  }
0x1f: {  	[dreg:$0xf] =	wrdreg s6;
	s6 =	simm.s32 @!p0 $0x5  }
0x20: {  	_ =	swait.ge @!p0 [sflag:s6], $0x4000  }
0x21: {  	s7 =	rddreg [dreg:$0x7];
	[sflag:s6] =	ssyncset.done @!p0 $0x0  }
0x22: {  	[sflag:s6] =	ssyncadd.s32 @!p0 $0xFFFFC000;
	s7 =	sadd.s32 $0x0, s7  }
0x23: {  	[tilespmem:s3], [sflag:$0xA] =	stream.linear.gather [hbm4b:s7+s3], $0x80, $0x38;
	[tilespmem:$0x12280] =	vst v63  }
0x24: {  	_ =	swait.ge [sflag:s13], $0x80  }
0x25: {  	[sflag:s13] =	ssyncset.done $0x0  }
0x26: {  	s6 =	simm.s32 @!p0 $0x4;
	[sflag:s13] =	ssyncadd.s32 $0xFFFFFF80  }
0x27: {  	[tilespmem:s15], [sflag:$0x1] =	stream.indirect.gather [hbm4b:s1+s14], $0x80, s3, s14, $0xb8;
	[tilespmem:$0x12280] =	vst v63  }
0x28: {  	_ =	swait.ge @!p0 [sflag:s6], $0x4000  }
0x29: {  	s24 =	simm.s32 @!p0 $0xC200;
	s9 =	rddreg [dreg:$0xd]  }
0x2a: {  	s7 =	simm.s32 @!p0 $0x6;
	[sflag:s6] =	ssyncset.done @!p0 $0x0;
	s8 =	sshrl.u32 @!p0 s9, $0x3  }
0x2b: {  	[sflag:s6] =	ssyncadd.s32 @!p0 $0xFFFFC000;
	s6 =	sadd.s32 @!p0 s4, s8;
	s8 =	simm.s32 @!p0 $0x0  }
0x2c: {  	[hbm4b:s6+s8] =	stream.linear.scatter @!p0 [tilespmem:s24], [sflag:$0x8], $0x4000, $0x38;
	[tilespmem:$0x12280] =	vst v63  }
0x2d: {  	_ =	swait.ge @!p0 [sflag:s7], $0x4000  }
0x2e: {  	s8 =	rddreg [dreg:$0x6];
	[sflag:s7] =	ssyncset.done @!p0 $0x0  }
0x2f: {  	[sflag:s7] =	ssyncadd.s32 @!p0 $0xFFFFC000;
	s6 =	sadd.s32 $0x0, s8  }
0x30: {  	[tilespmem:s14], [sflag:$0xA] =	stream.linear.gather [hbm4b:s6+s3], $0x80, $0x38;
	[tilespmem:$0x12280] =	vst v63  }
0x31: {  	_ =	swait.ge [sflag:s13], $0x80  }
0x32: {  	[sflag:s13] =	ssyncset.done $0x0  }
0x33: {  	[sflag:s13] =	ssyncadd.s32 $0xFFFFFF80  }
0x34: {  	[tilespmem:s16], [sflag:$0x2] =	stream.indirect.gather [hbm4b:s1+s14], $0x80, s14, s14, $0xb8;
	[tilespmem:$0x12280] =	vst v63  }
0x35: {  	_ =	swait.ge [sflag:s17], $0x4000  }
0x36: {  	[sflag:s17] =	ssyncset.done $0x0  }
0x37: {  	s6 =	simm.s32 @!p0 $0x7;
	s10 =	rddreg [dreg:$0xc];
	[sflag:s17] =	ssyncadd.s32 $0xFFFFC000  }
0x38: {  	[hbm4b:s10+s3] =	stream.linear.scatter [tilespmem:s15], [sflag:$0x5], $0x4000, $0x38;
	[tilespmem:$0x12280] =	vst v63  }
0x39: {  	_ =	swait.ge @!p0 [sflag:s6], $0x4000  }
0x3a: {  	s11 =	rddreg [dreg:$0x5];
	[sflag:s6] =	ssyncset.done @!p0 $0x0  }
0x3b: {  	[sflag:s6] =	ssyncadd.s32 @!p0 $0xFFFFC000;
	s24 =	sadd.s32 $0x0, s11  }
0x3c: {  	[tilespmem:s18], [sflag:$0xA] =	stream.linear.gather [hbm4b:s24+s3], $0x80, $0x38;
	[tilespmem:$0x12280] =	vst v63  }
0x3d: {  	_ =	swait.ge [sflag:s13], $0x80  }
0x3e: {  	[sflag:s13] =	ssyncset.done $0x0  }
0x3f: {  	[sflag:s13] =	ssyncadd.s32 $0xFFFFFF80  }
0x40: {  	[tilespmem:s19], [sflag:$0x3] =	stream.indirect.gather [hbm4b:s1+s14], $0x80, s18, s14, $0xb8;
	[tilespmem:$0x12280] =	vst v63  }
0x41: {  	_ =	swait.ge [sflag:s20], $0x4000  }
0x42: {  	[sflag:s20] =	ssyncset.done $0x0  }
0x43: {  	s6 =	simm.s32 @!p0 $0x8;
	s5 =	rddreg [dreg:$0xb];
	[sflag:s20] =	ssyncadd.s32 $0xFFFFC000  }
0x44: {  	[hbm4b:s5+s3] =	stream.linear.scatter [tilespmem:s16], [sflag:$0x6], $0x4000, $0x38;
	[tilespmem:$0x12280] =	vst v63  }
0x45: {  	_ =	swait.ge @!p0 [sflag:s6], $0x4000  }
0x46: {  	s25 =	rddreg [dreg:$0x4];
	[sflag:s6] =	ssyncset.done @!p0 $0x0  }
0x47: {  	[sflag:s6] =	ssyncadd.s32 @!p0 $0xFFFFC000;
	s26 =	sadd.s32 $0x0, s25  }
0x48: {  	[tilespmem:s21], [sflag:$0xA] =	stream.linear.gather [hbm4b:s26+s3], $0x80, $0x38;
	[tilespmem:$0x12280] =	vst v63  }
0x49: {  	_ =	swait.ge [sflag:s13], $0x80  }
0x4a: {  	[sflag:s13] =	ssyncset.done $0x0  }
0x4b: {  	s29 =	simm.s32 $0x80;
	[sflag:s13] =	ssyncadd.s32 $0xFFFFFF80  }
0x4c: {  	[tilespmem:s22], [sflag:$0x4] =	stream.indirect.gather [hbm4b:s1+s14], $0x80, s21, s14, $0xb8;
	[tilespmem:$0x12280] =	vst v63  }
0x4d: {  	s28 =	sadd.s32 $0x10000, s9;
	s6 =	simm.s32 $0x40;
	_ =	swait.ge [sflag:s23], $0x4000  }
0x4e: {  	s25 =	sadd.s32 $0x2000, s5;
	p0 =	por $0x0, $0x0;
	s7 =	rddreg [dreg:$0xa]  }
0x4f: {  	s26 =	sadd.s32 $0x2000, s10;
	[sflag:s23] =	ssyncset.done $0x0;
	s24 =	sadd.s32 $0x2000, s7  }
.LBB2_2:
0x50: {  	s9 =	simm.s32 @!p0 $0x5;
	[sflag:s23] =	ssyncadd.s32 $0xFFFFC000  }
0x51: {  	[hbm4b:s7+s3] =	stream.linear.scatter [tilespmem:s19], [sflag:$0x7], $0x4000, $0x38;
	[tilespmem:$0x12280] =	vst v63  }
0x52: {  	_ =	swait.ge @!p0 [sflag:s9], $0x4000  }
0x53: {  	[sflag:s9] =	ssyncset.done @!p0 $0x0;
	s10 =	rddreg [dreg:$0x7]  }
0x54: {  	[sflag:s9] =	ssyncadd.s32 @!p0 $0xFFFFC000;
	s5 =	sadd.s32 s6, s10  }
0x55: {  	[tilespmem:s3], [sflag:$0xA] =	stream.linear.gather [hbm4b:s5+s3], $0x80, $0x38;
	[tilespmem:$0x12280] =	vst v63  }
0x56: {  	_ =	swait.ge [sflag:s13], $0x80  }
0x57: {  	[sflag:s13] =	ssyncset.done $0x0  }
0x58: {  	s9 =	simm.s32 @!p0 $0x4;
	[sflag:s13] =	ssyncadd.s32 $0xFFFFFF80  }
0x59: {  	[tilespmem:s15], [sflag:$0x1] =	stream.indirect.gather [hbm4b:s1+s14], $0x80, s3, s14, $0xb8;
	[tilespmem:$0x12280] =	vst v63  }
0x5a: {  	s11 =	sshrl.u32 @!p0 s28, $0x3;
	_ =	swait.ge @!p0 [sflag:s9], $0x4000  }
0x5b: {  	s10 =	simm.s32 @!p0 $0x6;
	s5 =	simm.s32 @!p0 $0xC200;
	[sflag:s9] =	ssyncset.done @!p0 $0x0  }
0x5c: {  	[sflag:s9] =	ssyncadd.s32 @!p0 $0xFFFFC000;
	s9 =	sadd.s32 @!p0 s4, s11;
	s11 =	simm.s32 @!p0 $0x0  }
0x5d: {  	[hbm4b:s9+s11] =	stream.linear.scatter @!p0 [tilespmem:s5], [sflag:$0x8], $0x4000, $0x38;
	[tilespmem:$0x12280] =	vst v63  }
0x5e: {  	_ =	swait.ge @!p0 [sflag:s10], $0x4000  }
0x5f: {  	[sflag:s10] =	ssyncset.done @!p0 $0x0;
	s9 =	rddreg [dreg:$0x6]  }
0x60: {  	[sflag:s10] =	ssyncadd.s32 @!p0 $0xFFFFC000;
	s5 =	sadd.s32 s6, s9  }
0x61: {  	[tilespmem:s14], [sflag:$0xA] =	stream.linear.gather [hbm4b:s5+s3], $0x80, $0x38;
	[tilespmem:$0x12280] =	vst v63  }
0x62: {  	_ =	swait.ge [sflag:s13], $0x80  }
0x63: {  	[sflag:s13] =	ssyncset.done $0x0  }
0x64: {  	[sflag:s13] =	ssyncadd.s32 $0xFFFFFF80  }
0x65: {  	[tilespmem:s16], [sflag:$0x2] =	stream.indirect.gather [hbm4b:s1+s14], $0x80, s14, s14, $0xb8;
	[tilespmem:$0x12280] =	vst v63  }
0x66: {  	_ =	swait.ge [sflag:s17], $0x4000  }
0x67: {  	[sflag:s17] =	ssyncset.done $0x0  }
0x68: {  	s5 =	simm.s32 @!p0 $0x7;
	[sflag:s17] =	ssyncadd.s32 $0xFFFFC000  }
0x69: {  	[hbm4b:s26+s3] =	stream.linear.scatter [tilespmem:s15], [sflag:$0x5], $0x4000, $0x38;
	[tilespmem:$0x12280] =	vst v63  }
0x6a: {  	_ =	swait.ge @!p0 [sflag:s5], $0x4000  }
0x6b: {  	[sflag:s5] =	ssyncset.done @!p0 $0x0;
	s11 =	rddreg [dreg:$0x5]  }
0x6c: {  	[sflag:s5] =	ssyncadd.s32 @!p0 $0xFFFFC000;
	s9 =	sadd.s32 s6, s11  }
0x6d: {  	[tilespmem:s18], [sflag:$0xA] =	stream.linear.gather [hbm4b:s9+s3], $0x80, $0x38;
	[tilespmem:$0x12280] =	vst v63  }
0x6e: {  	_ =	swait.ge [sflag:s13], $0x80  }
0x6f: {  	[sflag:s13] =	ssyncset.done $0x0  }
0x70: {  	[sflag:s13] =	ssyncadd.s32 $0xFFFFFF80  }
0x71: {  	[tilespmem:s19], [sflag:$0x3] =	stream.indirect.gather [hbm4b:s1+s14], $0x80, s18, s14, $0xb8;
	[tilespmem:$0x12280] =	vst v63  }
0x72: {  	_ =	swait.ge [sflag:s20], $0x4000  }
0x73: {  	[sflag:s20] =	ssyncset.done $0x0  }
0x74: {  	s5 =	simm.s32 @!p0 $0x8;
	[sflag:s20] =	ssyncadd.s32 $0xFFFFC000  }
0x75: {  	[hbm4b:s25+s3] =	stream.linear.scatter [tilespmem:s16], [sflag:$0x6], $0x4000, $0x38;
	[tilespmem:$0x12280] =	vst v63  }
0x76: {  	_ =	swait.ge @!p0 [sflag:s5], $0x4000  }
0x77: {  	s8 =	smov.u32 s29;
	[sflag:s5] =	ssyncset.done @!p0 $0x0;
	s10 =	rddreg [dreg:$0x4]  }
0x78: {  	s29 =	sadd.s32 $0x40, s29;
	[sflag:s5] =	ssyncadd.s32 @!p0 $0xFFFFC000;
	s11 =	sadd.s32 s6, s10  }
0x79: {  	[tilespmem:s21], [sflag:$0xA] =	stream.linear.gather [hbm4b:s11+s3], $0x80, $0x38;
	[tilespmem:$0x12280] =	vst v63  }
0x7a: {  	p1 =	sne.s32 s29, $0x800;
	_ =	swait.ge [sflag:s13], $0x80  }
.Ltmp0:
0x7b: {  	s28 =	sadd.s32 $0x10000, s28;
	[sflag:s13] =	ssyncset.done $0x0;
	(pc) =	sbr.rel @p1 .LBB2_2-.Ltmp0, $4  }
0x7c: {  	s7 =	smov.u32 s24;
	s24 =	sadd.s32 $0x2000, s24;
	[sflag:s13] =	ssyncadd.s32 $0xFFFFFF80  }
0x7d: {  	[tilespmem:s22], [sflag:$0x4] =	stream.indirect.gather [hbm4b:s1+s14], $0x80, s21, s14, $0xb8;
	[tilespmem:$0x12280] =	vst v63  }
0x7e: {  	s26 =	sadd.s32 $0x2000, s26;
	s6 =	smov.u32 s8;
	_ =	swait.ge [sflag:s23], $0x4000  }
0x7f: {  	s25 =	sadd.s32 $0x2000, s25;
	p0 =	seq.s32 s6, $0x0;
	[sflag:s23] =	ssyncset.done $0x0  }
0x80: {  	s5 =	simm.s32 @!p0 $0x5;
	[sflag:s23] =	ssyncadd.s32 $0xFFFFC000  }
0x81: {  	[hbm4b:s7+s3] =	stream.linear.scatter [tilespmem:s19], [sflag:$0x7], $0x4000, $0x38;
	[tilespmem:$0x12280] =	vst v63  }
0x82: {  	_ =	swait.ge @!p0 [sflag:s5], $0x4000  }
0x83: {  	s8 =	rddreg [dreg:$0x7];
	[sflag:s5] =	ssyncset.done @!p0 $0x0  }
0x84: {  	[sflag:s5] =	ssyncadd.s32 @!p0 $0xFFFFC000;
	s9 =	sadd.s32 s6, s8  }
0x85: {  	[tilespmem:s3], [sflag:$0xA] =	stream.linear.gather [hbm4b:s9+s3], $0x80, $0x38;
	[tilespmem:$0x12280] =	vst v63  }
0x86: {  	_ =	swait.ge [sflag:s13], $0x80  }
0x87: {  	[sflag:s13] =	ssyncset.done $0x0  }
0x88: {  	s5 =	simm.s32 @!p0 $0x4;
	[sflag:s13] =	ssyncadd.s32 $0xFFFFFF80  }
0x89: {  	[tilespmem:s15], [sflag:$0x1] =	stream.indirect.gather [hbm4b:s1+s14], $0x80, s3, s14, $0xb8;
	[tilespmem:$0x12280] =	vst v63  }
0x8a: {  	_ =	swait.ge @!p0 [sflag:s5], $0x4000  }
0x8b: {  	s7 =	sshrl.u32 @!p0 s28, $0x3;
	s8 =	simm.s32 @!p0 $0xC200;
	[sflag:s5] =	ssyncset.done @!p0 $0x0  }
0x8c: {  	[sflag:s5] =	ssyncadd.s32 @!p0 $0xFFFFC000;
	s5 =	sadd.s32 @!p0 s4, s7;
	s7 =	simm.s32 @!p0 $0x0  }
0x8d: {  	[hbm4b:s5+s7] =	stream.linear.scatter @!p0 [tilespmem:s8], [sflag:$0x8], $0x4000, $0x38;
	[tilespmem:$0x12280] =	vst v63  }
0x8e: {  	s5 =	simm.s32 @!p0 $0x6  }
0x8f: {  	_ =	swait.ge @!p0 [sflag:s5], $0x4000  }
0x90: {  	s10 =	rddreg [dreg:$0x6];
	[sflag:s5] =	ssyncset.done @!p0 $0x0  }
0x91: {  	[sflag:s5] =	ssyncadd.s32 @!p0 $0xFFFFC000;
	s11 =	sadd.s32 s6, s10  }
0x92: {  	[tilespmem:s14], [sflag:$0xA] =	stream.linear.gather [hbm4b:s11+s3], $0x80, $0x38;
	[tilespmem:$0x12280] =	vst v63  }
0x93: {  	_ =	swait.ge [sflag:s13], $0x80  }
0x94: {  	[sflag:s13] =	ssyncset.done $0x0  }
0x95: {  	[sflag:s13] =	ssyncadd.s32 $0xFFFFFF80  }
0x96: {  	[tilespmem:s16], [sflag:$0x2] =	stream.indirect.gather [hbm4b:s1+s14], $0x80, s14, s14, $0xb8;
	[tilespmem:$0x12280] =	vst v63  }
0x97: {  	_ =	swait.ge [sflag:s17], $0x4000  }
0x98: {  	[sflag:s17] =	ssyncset.done $0x0  }
0x99: {  	s5 =	simm.s32 @!p0 $0x7;
	[sflag:s17] =	ssyncadd.s32 $0xFFFFC000  }
0x9a: {  	[hbm4b:s26+s3] =	stream.linear.scatter [tilespmem:s15], [sflag:$0x5], $0x4000, $0x38;
	[tilespmem:$0x12280] =	vst v63  }
0x9b: {  	_ =	swait.ge @!p0 [sflag:s5], $0x4000  }
0x9c: {  	s26 =	rddreg [dreg:$0x5];
	[sflag:s5] =	ssyncset.done @!p0 $0x0  }
0x9d: {  	[sflag:s5] =	ssyncadd.s32 @!p0 $0xFFFFC000;
	s28 =	sadd.s32 s6, s26  }
0x9e: {  	[tilespmem:s18], [sflag:$0xA] =	stream.linear.gather [hbm4b:s28+s3], $0x80, $0x38;
	[tilespmem:$0x12280] =	vst v63  }
0x9f: {  	_ =	swait.ge [sflag:s13], $0x80  }
0xa0: {  	[sflag:s13] =	ssyncset.done $0x0  }
0xa1: {  	[sflag:s13] =	ssyncadd.s32 $0xFFFFFF80  }
0xa2: {  	[tilespmem:s19], [sflag:$0x3] =	stream.indirect.gather [hbm4b:s1+s14], $0x80, s18, s14, $0xb8;
	[tilespmem:$0x12280] =	vst v63  }
0xa3: {  	_ =	swait.ge [sflag:s20], $0x4000  }
0xa4: {  	[sflag:s20] =	ssyncset.done $0x0  }
0xa5: {  	s5 =	simm.s32 @!p0 $0x8;
	[sflag:s20] =	ssyncadd.s32 $0xFFFFC000  }
0xa6: {  	[hbm4b:s25+s3] =	stream.linear.scatter [tilespmem:s16], [sflag:$0x6], $0x4000, $0x38;
	[tilespmem:$0x12280] =	vst v63  }
0xa7: {  	_ =	swait.ge @!p0 [sflag:s5], $0x4000  }
0xa8: {  	s29 =	rddreg [dreg:$0x4];
	[sflag:s5] =	ssyncset.done @!p0 $0x0  }
0xa9: {  	[sflag:s5] =	ssyncadd.s32 @!p0 $0xFFFFC000;
	s7 =	sadd.s32 s6, s29  }
0xaa: {  	[tilespmem:s21], [sflag:$0xA] =	stream.linear.gather [hbm4b:s7+s3], $0x80, $0x38;
	[tilespmem:$0x12280] =	vst v63  }
0xab: {  	_ =	swait.ge [sflag:s13], $0x80  }
0xac: {  	[sflag:s13] =	ssyncset.done $0x0  }
0xad: {  	[sflag:s13] =	ssyncadd.s32 $0xFFFFFF80  }
0xae: {  	[tilespmem:s22], [sflag:$0x4] =	stream.indirect.gather [hbm4b:s1+s14], $0x80, s21, s14, $0xb8;
	[tilespmem:$0x12280] =	vst v63  }
0xaf: {  	_ =	swait.ge [sflag:s23], $0x4000  }
0xb0: {  	[sflag:s23] =	ssyncset.done $0x0  }
0xb1: {  	s8 =	simm.s32 $0x4;
	[sflag:s23] =	ssyncadd.s32 $0xFFFFC000  }
0xb2: {  	[hbm4b:s24+s3] =	stream.linear.scatter [tilespmem:s19], [sflag:$0x7], $0x4000, $0x38;
	[tilespmem:$0x12280] =	vst v63  }
0xb3: {  	_ =	swait.ge [sflag:s8], $0x4000  }
0xb4: {  	s9 =	simm.s32 $0x0;
	[sflag:s8] =	ssyncset.done $0x0  }
0xb5: {  	s11 =	simm.s32 $0x5;
	s10 =	rddreg [dreg:$0x8];
	[sflag:s8] =	ssyncadd.s32 $0xFFFFC000  }
0xb6: {  	[hbm4b:s10+s9] =	stream.linear.scatter [tilespmem:s22], [sflag:$0x8], $0x4000, $0x38;
	[tilespmem:$0x12280] =	vst v63  }
0xb7: {  	_ =	swait.ge [sflag:s11], $0x4000  }
0xb8: {  	[sflag:s11] =	ssyncset.done $0x0  }
0xb9: {  	s24 =	simm.s32 $0x6;
	[sflag:s11] =	ssyncadd.s32 $0xFFFFC000  }
0xba: {  	_ =	swait.ge [sflag:s24], $0x4000  }
0xbb: {  	[sflag:s24] =	ssyncset.done $0x0  }
0xbc: {  	s25 =	simm.s32 $0x7;
	[sflag:s24] =	ssyncadd.s32 $0xFFFFC000  }
0xbd: {  	_ =	swait.ge [sflag:s25], $0x4000  }
0xbe: {  	[sflag:s25] =	ssyncset.done $0x0  }
0xbf: {  	s26 =	simm.s32 $0x8;
	[sflag:s25] =	ssyncadd.s32 $0xFFFFC000  }
0xc0: {  	_ =	swait.ge [sflag:s26], $0x4000  }
0xc1: {  	[sflag:s26] =	ssyncset.done $0x0  }
0xc2: {  	s28 =	sadd.s32 $0x0, s12;
	[sflag:s26] =	ssyncadd.s32 $0xFFFFC000  }
0xc3: {  	[tilespmem:s30], [sflag:$0xA] =	stream.linear.gather [hbm4b:s28+s3], $0x40, $0x38;
	[tilespmem:$0x12280] =	vst v63  }
0xc4: {  	_ =	swait.ge [sflag:s13], $0x40  }
0xc5: {  	[sflag:s13] =	ssyncset.done $0x0  }
0xc6: {  	[sflag:s13] =	ssyncadd.s32 $0xFFFFFFC0  }
0xc7: {  	[tilespmem:s0], [sflag:$0x9] =	stream.indirect.gather [hbm4b:s1+s31], $0x80, s30, s31, $0xb8;
	[tilespmem:$0x12280] =	vst v63  }
0xc8: {  	_ =	swait.ge [sflag:s2], $0x2000  }
0xc9: {  	[sflag:s2] =	ssyncset.done $0x0  }
0xca: {  	s29 =	rddreg [dreg:$0xe];
	[sflag:s2] =	ssyncadd.s32 $0xFFFFE000  }
0xcb: {  	[hbm4b:s29+s3] =	stream.linear.scatter [tilespmem:s0], [sflag:$0xA], $0x2000, $0x38;
	[tilespmem:$0x12280] =	vst v63  }
0xcc: {  	s7 =	simm.s32 $0x8;
	_ =	swait.ge [sflag:s13], $0x2000  }
0xcd: {  	s8 =	simm.s32 $0x10;
	s6 =	sadd.s32 $0x400, s29;
	[sflag:s13] =	ssyncset.done $0x0  }
.LBB2_4:
0xce: {  	s5 =	sadd.s32 s7, s12  }
0xcf: {  	[sflag:s13] =	ssyncadd.s32 $0xFFFFE000;
	s7 =	smov.u32 s8;
	s9 =	sadd.s32 $0x8, s8  }
0xd0: {  	[tilespmem:s30], [sflag:$0xA] =	stream.linear.gather [hbm4b:s5+s3], $0x40, $0x38;
	[tilespmem:$0x12280] =	vst v63  }
0xd1: {  	p0 =	sne.s32 s8, $0x80;
	_ =	swait.ge [sflag:s13], $0x40  }
0xd2: {  	[sflag:s13] =	ssyncset.done $0x0  }
0xd3: {  	[sflag:s13] =	ssyncadd.s32 $0xFFFFFFC0  }
0xd4: {  	[tilespmem:s0], [sflag:$0x9] =	stream.indirect.gather [hbm4b:s1+s31], $0x80, s30, s31, $0xb8;
	[tilespmem:$0x12280] =	vst v63  }
0xd5: {  	_ =	swait.ge [sflag:s2], $0x2000  }
.Ltmp1:
0xd6: {  	[sflag:s2] =	ssyncset.done $0x0;
	(pc) =	sbr.rel @p0 .LBB2_4-.Ltmp1, $4  }
0xd7: {  	[sflag:s2] =	ssyncadd.s32 $0xFFFFE000  }
0xd8: {  	[hbm4b:s6+s3] =	stream.linear.scatter [tilespmem:s0], [sflag:$0xA], $0x2000, $0x38;
	[tilespmem:$0x12280] =	vst v63  }
0xd9: {  	_ =	swait.ge [sflag:s13], $0x2000  }
0xda: {  	s8 =	smov.u32 s9;
	s6 =	sadd.s32 $0x400, s6;
	[sflag:s13] =	ssyncset.done $0x0  }
0xdb: {  	s5 =	sadd.s32 s7, s12;
	[sflag:s13] =	ssyncadd.s32 $0xFFFFE000  }
0xdc: {  	[tilespmem:s30], [sflag:$0xA] =	stream.linear.gather [hbm4b:s5+s3], $0x40, $0x38;
	[tilespmem:$0x12280] =	vst v63  }
0xdd: {  	_ =	swait.ge [sflag:s13], $0x40  }
0xde: {  	[sflag:s13] =	ssyncset.done $0x0  }
0xdf: {  	[sflag:s13] =	ssyncadd.s32 $0xFFFFFFC0  }
0xe0: {  	[tilespmem:s0], [sflag:$0x9] =	stream.indirect.gather [hbm4b:s1+s31], $0x80, s30, s31, $0xb8;
	[tilespmem:$0x12280] =	vst v63  }
0xe1: {  	_ =	swait.ge [sflag:s2], $0x2000  }
0xe2: {  	[sflag:s2] =	ssyncset.done $0x0  }
0xe3: {  	[sflag:s2] =	ssyncadd.s32 $0xFFFFE000  }
0xe4: {  	[hbm4b:s6+s3] =	stream.linear.scatter [tilespmem:s0], [sflag:$0xA], $0x2000, $0x38;
	[tilespmem:$0x12280] =	vst v63  }
0xe5: {  	_ =	swait.ge [sflag:s13], $0x2000  }
0xe6: {  	s28 =	rddreg [dreg:$0xf]  }
0xe7: {  	s29 =	rddreg [dreg:$0x9];
	s6 =	sadd.s32 $0x1, s28  }
0xe8: {  	p0 =	sne.s32 s6, s29  }
.Ltmp2:
0xe9: {  	_ = 	snop;
	(pc) =	sbr.rel @p0 .LBB2_1-.Ltmp2, $3  }
0xea: {  	_ =	sdelay $0x1  }
0xeb: {  	[sflag:s13] =	ssyncset.done $0x0  }
0xec: {  	[sflag:s13] =	ssyncadd.s32 $0xFFFFE000  }
0xed: {  	_ =	sfence.sel $0x180000  }
0xee: {  	[bflag:$0x0] =	sbarrier.arrive $0xFFFF  }
0xef: {  	_ =	strace $0x90000047  }
0xf0: {  	s0 =	stileid.u32;
	[bflag:$0x2] =	sbarrier.arrive $0xFFFF  }
0xf1: {  	p0 =	sne.s32 s0, $0x0;
	s0 =	rddreg [dreg:$0x3]  }
0xf2: {  	s0 =	sadd.s32 @!p0 $0x100000, s0  }
0xf3: {  	[sflag:s0] =	ssyncadd.tile.s32 @!p0 $0x1;
	_ =	shalt  }
.Lfunc_end2:
_tile_overlayer_lowered:
.L_overlay_start_2:
0xf4: {  	(tag) =	ssettag $0x2  }
0xf5: {  	s0 =	rddreg [dreg:$0x0];
	s2 =	stileid.u32  }
0xf6: {  	s1 =	rddreg [dreg:$0x1];
	p0 =	sne.s32 s2, $0x0  }
0xf7: {  	s3 =	rddreg [dreg:$0x2];
	[bflag:$0x3] =	sbarrier.arrive $0xFFFF;
	s2 =	simm.s32 @!p0 $0x1C0A  }
0xf8: {  	[timem:s3], [sflag:s2] =	dma.local @!p0 [hbm:s0], s1  }
0xf9: {  	s0 =	simm.s32 @!p0 $0xA  }
0xfa: {  	_ =	swait.ge @!p0 [sflag:s0], s1  }
0xfb: {  	s1 =	ssub.s32 @!p0 $0x0, s1;
	[sflag:s0] =	ssyncset.done @!p0 $0x0  }
0xfc: {  	[sflag:s0] =	ssyncadd.s32 @!p0 s1  }
0xfd: {  	[bflag:$0x3] =	sbarrier.arrive $0xFFFF  }
0xfe: {  	_ =	shalt  }

</sc_bundles>
